<compile_context>
chip_gen: v7x
topology: tpu7x:2x2x1
jax: 0.10.2.dev20260603
libtpu: 0.0.44.dev20260713+nightly
codegen_flags: <defaults>
</compile_context>

<pallas_src>
import functools

import jax
import jax.numpy as jnp
from jax import lax
from jax.experimental import pallas as pl
from jax.experimental.pallas import tpu as pltpu
from jax.experimental.pallas import tpu_sc as plsc

N = 10000
E = 320000
D = 128
BN_EPS = 1e-3

NC = 2
NS = 16
NW = NC * NS
EB = 128
EPW = 9984
NB = EPW // EB
NX = E - NW * EPW
K = 3
S = K

RPT = 624
RPT_LAST = N - RPT * (NS - 1)


def _agg_body(h_hbm, dst_hbm, src_hbm, out_hbm, *refs):
    rows = refs[0:S]
    idx_s = (refs[S:2 * S], refs[2 * S:3 * S])
    idx_d = (refs[3 * S:4 * S], refs[4 * S:5 * S])
    acc = refs[5 * S]
    gsem = refs[5 * S + 1:6 * S + 1]
    ssem = refs[6 * S + 1:7 * S + 1]
    psem_s = refs[7 * S + 1:8 * S + 1]
    psem_d = refs[8 * S + 1:9 * S + 1]

    c = lax.axis_index("c")
    s = lax.axis_index("s")
    wid = c * NS + s

    def zrow(i, _):
        for j in range(D // 16):
            rows[0][i, pl.ds(j * 16, 16)] = jnp.zeros((16,), jnp.float32)
        return 0
    lax.fori_loop(0, EB, zrow, 0)

    zbase = s * RPT
    for k in range((RPT + EB - 1) // EB):
        nrows = min(EB, RPT - k * EB)
        pltpu.sync_copy(rows[0].at[pl.ds(0, nrows)],
                        acc.at[pl.ds(zbase + k * EB, nrows)])

    extra = RPT_LAST - RPT

    @pl.when(s == NS - 1)
    def _zero_tail():
        pltpu.sync_copy(rows[0].at[pl.ds(0, extra)],
                        acc.at[pl.ds(RPT * NS, extra)])

    plsc.subcore_barrier()

    ebase = wid * EPW

    def one_body(g, p, first):
        base = ebase + g * (K * EB)
        nxt = base + K * EB
        gd = []
        for u in range(K):
            if not first:
                pltpu.make_async_copy(rows[u], acc.at[idx_d[p][u]],
                                      ssem[u]).wait()
                pltpu.make_async_copy(src_hbm.at[pl.ds(base + u * EB, EB)],
                                      idx_s[p][u], psem_s[u]).wait()
                pltpu.make_async_copy(dst_hbm.at[pl.ds(base + u * EB, EB)],
                                      idx_d[p][u], psem_d[u]).wait()
            else:
                pltpu.sync_copy(src_hbm.at[pl.ds(base + u * EB, EB)],
                                idx_s[p][u])
                pltpu.sync_copy(dst_hbm.at[pl.ds(base + u * EB, EB)],
                                idx_d[p][u])
            gd.append(pltpu.async_copy(h_hbm.at[idx_s[p][u]],
                                       rows[u], gsem[u]))
            pltpu.async_copy(src_hbm.at[pl.ds(nxt + u * EB, EB)],
                             idx_s[1 - p][u], psem_s[u])
            pltpu.async_copy(dst_hbm.at[pl.ds(nxt + u * EB, EB)],
                             idx_d[1 - p][u], psem_d[u])
        for u in range(K):
            gd[u].wait()
            pltpu.async_copy(rows[u], acc.at[idx_d[p][u]], ssem[u], add=True)

    one_body(0, 0, True)
    one_body(1, 1, False)

    def body(t, _):
        one_body(2 * t + 2, 0, False)
        one_body(2 * t + 3, 1, False)
        return 0
    lax.fori_loop(0, (NB // K - 2) // 2, body, 0)

    for u in range(K):
        pltpu.make_async_copy(rows[u], acc.at[idx_d[1][u]], ssem[u]).wait()
        pltpu.make_async_copy(src_hbm.at[pl.ds(0, EB)],
                              idx_s[0][u], psem_s[u]).wait()
        pltpu.make_async_copy(dst_hbm.at[pl.ds(0, EB)],
                              idx_d[0][u], psem_d[u]).wait()

    @pl.when(wid < NX // EB)
    def _extra_batch():
        off = NW * EPW + wid * EB
        pltpu.sync_copy(src_hbm.at[pl.ds(off, EB)], idx_s[0][0])
        pltpu.sync_copy(dst_hbm.at[pl.ds(off, EB)], idx_d[0][0])
        pltpu.async_copy(h_hbm.at[idx_s[0][0]], rows[0], gsem[0]).wait()
        pltpu.async_copy(rows[0], acc.at[idx_d[0][0]], ssem[0],
                         add=True).wait()

    plsc.subcore_barrier()

    pltpu.sync_copy(acc.at[pl.ds(s * RPT, RPT)],
                    out_hbm.at[pl.ds(c * N + s * RPT, RPT)])

    @pl.when(s == NS - 1)
    def _drain_tail():
        pltpu.sync_copy(acc.at[pl.ds(RPT * NS, extra)],
                        out_hbm.at[pl.ds(c * N + RPT * NS, extra)])


def _make_agg():
    mesh = plsc.VectorSubcoreMesh(core_axis_name="c", subcore_axis_name="s")
    scratch = (
        [pltpu.VMEM((EB, D), jnp.float32)] * S +
        [pltpu.VMEM((EB,), jnp.int32)] * (4 * S) +
        [pltpu.VMEM_SHARED((N, D), jnp.float32)] +
        [pltpu.SemaphoreType.DMA] * (4 * S)
    )
    return pl.kernel(
        _agg_body,
        out_type=jax.ShapeDtypeStruct((NC * N, D), jnp.float32),
        mesh=mesh,
        scratch_types=scratch,
    )


ROWS_B = 400
GRID = N // ROWS_B


def _ffn_body(h_ref, p0_ref, p1_ref, scale_ref, shift_ref, w_ref, b_ref, o_ref):
    h = h_ref[...] + p0_ref[...] + p1_ref[...]
    x = h * scale_ref[...] + shift_ref[...]
    y = jnp.dot(x, w_ref[...], preferred_element_type=jnp.float32) + b_ref[...]
    z = 0.5 * y * (1.0 + lax.erf(y * (2.0 ** -0.5)))
    sq = jnp.sum(z * z, axis=1, keepdims=True)
    o_ref[...] = z * lax.rsqrt(jnp.maximum(sq, 1e-12))


def _ffn(H, partial, scale, shift, W, b):
    row_spec = pl.BlockSpec((ROWS_B, D), lambda i: (i, 0))
    p0_spec = pl.BlockSpec((ROWS_B, D), lambda i: (i, 0))
    p1_spec = pl.BlockSpec((ROWS_B, D), lambda i: (i + GRID, 0))
    vec_spec = pl.BlockSpec((1, D), lambda i: (0, 0))
    return pl.pallas_call(
        _ffn_body,
        grid=(GRID,),
        in_specs=[row_spec, p0_spec, p1_spec, vec_spec, vec_spec,
                  pl.BlockSpec((D, D), lambda i: (0, 0)), vec_spec],
        out_specs=row_spec,
        out_shape=jax.ShapeDtypeStruct((N, D), jnp.float32),
    )(H, partial, partial, scale, shift, W, b)


@jax.jit
def kernel(H, edge_index, gamma, beta, moving_mean, moving_var, W, b):
    dst = edge_index[0]
    src = edge_index[1]
    partial = _make_agg()(H, dst, src)
    scale = gamma * lax.rsqrt(moving_var + BN_EPS)
    shift = beta - moving_mean * scale
    return _ffn(H, partial,
                scale.reshape(1, D), shift.reshape(1, D), W, b.reshape(1, D))

# --- scband reference (transcript-rebuilt; emitter-appended) ---
"""Pipeline reference for scband-graph-conv-layer-32495722561790 (READ-ONLY COPY).

The authoritative reference and input builder live on the scoring server;
editing this copy changes nothing except your own understanding.
"""

import jax, jax.numpy as jnp
import numpy as np

N = 10000
E = 320000
D = 128
H_UNITS = 128
BN_EPS = 1e-3  # keras BatchNormalization default epsilon


def setup_inputs(seed: int = 0) -> dict:
    key = jax.random.key(seed)
    k1, k2, k3, k4 = jax.random.split(key, 4)
    H = jax.random.normal(k1, (N, D), dtype=jnp.float32)
    # tf.math.segment_sum requires sorted segment ids -> sort the dst row
    dst = jnp.sort(jax.random.randint(k2, (E,), 0, N))
    src = jax.random.randint(k3, (E,), 0, N)
    edge_index = jnp.stack([dst, src], axis=0)
    # update_fn params: BatchNorm (inference: moving stats) + Dense(gelu)
    gamma = jnp.ones((D,), dtype=jnp.float32)
    beta = jnp.zeros((D,), dtype=jnp.float32)
    moving_mean = jnp.zeros((D,), dtype=jnp.float32)
    moving_var = jnp.ones((D,), dtype=jnp.float32)
    W = jax.random.normal(k4, (D, H_UNITS), dtype=jnp.float32) * 0.05
    b = jnp.zeros((H_UNITS,), dtype=jnp.float32)
    return {"H": H, "edge_index": edge_index, "gamma": gamma, "beta": beta,
            "moving_mean": moving_mean, "moving_var": moving_var, "W": W, "b": b}


def reference(H, edge_index, gamma, beta, moving_mean, moving_var, W, b):
    node_indices = edge_index[0]
    neighbour_indices = edge_index[1]
    # gather neighbour representations (messages are identity of neighbours)
    neighbour_messages = jnp.take(H, neighbour_indices, axis=0)
    # segment_sum aggregation over destination node indices
    aggregated = jax.ops.segment_sum(neighbour_messages, node_indices, num_segments=N)
    h = H + aggregated
    # update_fn: BatchNorm (inference mode) -> Dropout (inactive) -> Dense(gelu)
    bn = (h - moving_mean) / jnp.sqrt(moving_var + BN_EPS) * gamma + beta
    z = jax.nn.gelu(bn @ W + b, approximate=False)
    # tf.nn.l2_normalize along last axis
    sq = jnp.sum(z * z, axis=-1, keepdims=True)
    node_embeddings = z / jnp.sqrt(jnp.maximum(sq, 1e-12))
    return node_embeddings

if __name__ == "__main__":
    import jax
    _d = setup_inputs()
    print(jax.jit(kernel)(*tuple(_d.values())))

</pallas_src>

<mosaic_0001>
#map = affine_map<(d0, d1) -> (0, 0)>
#map1 = affine_map<(d0, d1) -> (0)>
module attributes {stable_mosaic.version = 14 : i64} {
  func.func @_agg_body(%arg0: i32, %arg1: i32, %arg2: memref<10000x128xf32, #tpu.memory_space<hbm>>, %arg3: memref<320000xi32, #tpu.memory_space<hbm>>, %arg4: memref<320000xi32, #tpu.memory_space<hbm>>, %arg5: memref<20000x128xf32, #tpu.memory_space<hbm>>, %arg6: memref<128x128xf32, #tpu.memory_space<vmem>>, %arg7: memref<128x128xf32, #tpu.memory_space<vmem>>, %arg8: memref<128x128xf32, #tpu.memory_space<vmem>>, %arg9: memref<128xi32, #tpu.memory_space<vmem>>, %arg10: memref<128xi32, #tpu.memory_space<vmem>>, %arg11: memref<128xi32, #tpu.memory_space<vmem>>, %arg12: memref<128xi32, #tpu.memory_space<vmem>>, %arg13: memref<128xi32, #tpu.memory_space<vmem>>, %arg14: memref<128xi32, #tpu.memory_space<vmem>>, %arg15: memref<128xi32, #tpu.memory_space<vmem>>, %arg16: memref<128xi32, #tpu.memory_space<vmem>>, %arg17: memref<128xi32, #tpu.memory_space<vmem>>, %arg18: memref<128xi32, #tpu.memory_space<vmem>>, %arg19: memref<128xi32, #tpu.memory_space<vmem>>, %arg20: memref<128xi32, #tpu.memory_space<vmem>>, %arg21: memref<10000x128xf32, #tpu.memory_space<vmem_shared>>, %arg22: memref<!tpu.dma_semaphore, #tpu.memory_space<semaphore_mem>>, %arg23: memref<!tpu.dma_semaphore, #tpu.memory_space<semaphore_mem>>, %arg24: memref<!tpu.dma_semaphore, #tpu.memory_space<semaphore_mem>>, %arg25: memref<!tpu.dma_semaphore, #tpu.memory_space<semaphore_mem>>, %arg26: memref<!tpu.dma_semaphore, #tpu.memory_space<semaphore_mem>>, %arg27: memref<!tpu.dma_semaphore, #tpu.memory_space<semaphore_mem>>, %arg28: memref<!tpu.dma_semaphore, #tpu.memory_space<semaphore_mem>>, %arg29: memref<!tpu.dma_semaphore, #tpu.memory_space<semaphore_mem>>, %arg30: memref<!tpu.dma_semaphore, #tpu.memory_space<semaphore_mem>>, %arg31: memref<!tpu.dma_semaphore, #tpu.memory_space<semaphore_mem>>, %arg32: memref<!tpu.dma_semaphore, #tpu.memory_space<semaphore_mem>>, %arg33: memref<!tpu.dma_semaphore, #tpu.memory_space<semaphore_mem>>) attributes {dimension_semantics = [#tpu.dimension_semantics<core_parallel>, #tpu.dimension_semantics<subcore_parallel>], iteration_bounds = array<i64: 2, 16>, scalar_prefetch = 0 : i64, scratch_operands = 28 : i64, tpu.core_type = #tpu.core_type<sc_vector_subcore>, window_params = [{transform_indices = #map}, {transform_indices = #map1}, {transform_indices = #map1}, {transform_indices = #map}]} {
    %mul3A = arith.constant 16 : i32
    %mul3A_0 = arith.muli %arg0, %mul3A : i32
    %add3A = arith.addi %mul3A_0, %arg1 : i32
    %scan3A = arith.constant 0 : i32
    %scan3A_1 = arith.constant 0 : i32
    %scan3A_2 = arith.constant 128 : i32
    %scan3A_3 = arith.addi %scan3A_1, %scan3A_2 : i32
    %scan3A_4 = arith.constant 1 : i32
    %scan3A_5 = scf.for %scan3A_233 = %scan3A_1 to %scan3A_3 step %scan3A_4 iter_args(%scan3A_234 = %scan3A) -> (i32)  : i32 {
      %broadcast_in_dim3A = arith.constant 0.000000e+00 : f32
      %broadcast_in_dim3A_235 = vector.broadcast %broadcast_in_dim3A : f32 to vector<16xf32>
      %swap3A = arith.index_cast %scan3A_233 : i32 to index
      %swap3A_236 = arith.constant 0 : index
      %swap3A_237 = tpu.vector_load %arg6[%swap3A, %swap3A_236] {strides = array<i32>} : memref<128x128xf32, #tpu.memory_space<vmem>>, vector<1x16xf32>,
      %swap3A_238 = vector.shape_cast %swap3A_237 : vector<1x16xf32> to vector<16xf32>
      %swap3A_239 = vector.shape_cast %broadcast_in_dim3A_235 : vector<16xf32> to vector<1x16xf32>
      tpu.vector_store %arg6[%swap3A, %swap3A_236], %swap3A_239 {strides = array<i32>} : memref<128x128xf32, #tpu.memory_space<vmem>>, vector<1x16xf32>,
      %broadcast_in_dim3A_240 = arith.constant 0.000000e+00 : f32
      %broadcast_in_dim3A_241 = vector.broadcast %broadcast_in_dim3A_240 : f32 to vector<16xf32>
      %swap3A_242 = arith.index_cast %scan3A_233 : i32 to index
      %swap3A_243 = arith.constant 16 : index
      %swap3A_244 = tpu.vector_load %arg6[%swap3A_242, %swap3A_243] {strides = array<i32>} : memref<128x128xf32, #tpu.memory_space<vmem>>, vector<1x16xf32>,
      %swap3A_245 = vector.shape_cast %swap3A_244 : vector<1x16xf32> to vector<16xf32>
      %swap3A_246 = vector.shape_cast %broadcast_in_dim3A_241 : vector<16xf32> to vector<1x16xf32>
      tpu.vector_store %arg6[%swap3A_242, %swap3A_243], %swap3A_246 {strides = array<i32>} : memref<128x128xf32, #tpu.memory_space<vmem>>, vector<1x16xf32>,
      %broadcast_in_dim3A_247 = arith.constant 0.000000e+00 : f32
      %broadcast_in_dim3A_248 = vector.broadcast %broadcast_in_dim3A_247 : f32 to vector<16xf32>
      %swap3A_249 = arith.index_cast %scan3A_233 : i32 to index
      %swap3A_250 = arith.constant 32 : index
      %swap3A_251 = tpu.vector_load %arg6[%swap3A_249, %swap3A_250] {strides = array<i32>} : memref<128x128xf32, #tpu.memory_space<vmem>>, vector<1x16xf32>,
      %swap3A_252 = vector.shape_cast %swap3A_251 : vector<1x16xf32> to vector<16xf32>
      %swap3A_253 = vector.shape_cast %broadcast_in_dim3A_248 : vector<16xf32> to vector<1x16xf32>
      tpu.vector_store %arg6[%swap3A_249, %swap3A_250], %swap3A_253 {strides = array<i32>} : memref<128x128xf32, #tpu.memory_space<vmem>>, vector<1x16xf32>,
      %broadcast_in_dim3A_254 = arith.constant 0.000000e+00 : f32
      %broadcast_in_dim3A_255 = vector.broadcast %broadcast_in_dim3A_254 : f32 to vector<16xf32>
      %swap3A_256 = arith.index_cast %scan3A_233 : i32 to index
      %swap3A_257 = arith.constant 48 : index
      %swap3A_258 = tpu.vector_load %arg6[%swap3A_256, %swap3A_257] {strides = array<i32>} : memref<128x128xf32, #tpu.memory_space<vmem>>, vector<1x16xf32>,
      %swap3A_259 = vector.shape_cast %swap3A_258 : vector<1x16xf32> to vector<16xf32>
      %swap3A_260 = vector.shape_cast %broadcast_in_dim3A_255 : vector<16xf32> to vector<1x16xf32>
      tpu.vector_store %arg6[%swap3A_256, %swap3A_257], %swap3A_260 {strides = array<i32>} : memref<128x128xf32, #tpu.memory_space<vmem>>, vector<1x16xf32>,
      %broadcast_in_dim3A_261 = arith.constant 0.000000e+00 : f32
      %broadcast_in_dim3A_262 = vector.broadcast %broadcast_in_dim3A_261 : f32 to vector<16xf32>
      %swap3A_263 = arith.index_cast %scan3A_233 : i32 to index
      %swap3A_264 = arith.constant 64 : index
      %swap3A_265 = tpu.vector_load %arg6[%swap3A_263, %swap3A_264] {strides = array<i32>} : memref<128x128xf32, #tpu.memory_space<vmem>>, vector<1x16xf32>,
      %swap3A_266 = vector.shape_cast %swap3A_265 : vector<1x16xf32> to vector<16xf32>
      %swap3A_267 = vector.shape_cast %broadcast_in_dim3A_262 : vector<16xf32> to vector<1x16xf32>
      tpu.vector_store %arg6[%swap3A_263, %swap3A_264], %swap3A_267 {strides = array<i32>} : memref<128x128xf32, #tpu.memory_space<vmem>>, vector<1x16xf32>,
      %broadcast_in_dim3A_268 = arith.constant 0.000000e+00 : f32
      %broadcast_in_dim3A_269 = vector.broadcast %broadcast_in_dim3A_268 : f32 to vector<16xf32>
      %swap3A_270 = arith.index_cast %scan3A_233 : i32 to index
      %swap3A_271 = arith.constant 80 : index
      %swap3A_272 = tpu.vector_load %arg6[%swap3A_270, %swap3A_271] {strides = array<i32>} : memref<128x128xf32, #tpu.memory_space<vmem>>, vector<1x16xf32>,
      %swap3A_273 = vector.shape_cast %swap3A_272 : vector<1x16xf32> to vector<16xf32>
      %swap3A_274 = vector.shape_cast %broadcast_in_dim3A_269 : vector<16xf32> to vector<1x16xf32>
      tpu.vector_store %arg6[%swap3A_270, %swap3A_271], %swap3A_274 {strides = array<i32>} : memref<128x128xf32, #tpu.memory_space<vmem>>, vector<1x16xf32>,
      %broadcast_in_dim3A_275 = arith.constant 0.000000e+00 : f32
      %broadcast_in_dim3A_276 = vector.broadcast %broadcast_in_dim3A_275 : f32 to vector<16xf32>
      %swap3A_277 = arith.index_cast %scan3A_233 : i32 to index
      %swap3A_278 = arith.constant 96 : index
      %swap3A_279 = tpu.vector_load %arg6[%swap3A_277, %swap3A_278] {strides = array<i32>} : memref<128x128xf32, #tpu.memory_space<vmem>>, vector<1x16xf32>,
      %swap3A_280 = vector.shape_cast %swap3A_279 : vector<1x16xf32> to vector<16xf32>
      %swap3A_281 = vector.shape_cast %broadcast_in_dim3A_276 : vector<16xf32> to vector<1x16xf32>
      tpu.vector_store %arg6[%swap3A_277, %swap3A_278], %swap3A_281 {strides = array<i32>} : memref<128x128xf32, #tpu.memory_space<vmem>>, vector<1x16xf32>,
      %broadcast_in_dim3A_282 = arith.constant 0.000000e+00 : f32
      %broadcast_in_dim3A_283 = vector.broadcast %broadcast_in_dim3A_282 : f32 to vector<16xf32>
      %swap3A_284 = arith.index_cast %scan3A_233 : i32 to index
      %swap3A_285 = arith.constant 112 : index
      %swap3A_286 = tpu.vector_load %arg6[%swap3A_284, %swap3A_285] {strides = array<i32>} : memref<128x128xf32, #tpu.memory_space<vmem>>, vector<1x16xf32>,
      %swap3A_287 = vector.shape_cast %swap3A_286 : vector<1x16xf32> to vector<16xf32>
      %swap3A_288 = vector.shape_cast %broadcast_in_dim3A_283 : vector<16xf32> to vector<1x16xf32>
      tpu.vector_store %arg6[%swap3A_284, %swap3A_285], %swap3A_288 {strides = array<i32>} : memref<128x128xf32, #tpu.memory_space<vmem>>, vector<1x16xf32>,
      %scan3A_289 = arith.constant 0 : i32
      scf.yield %scan3A_289 : i32
    }
    %scan3A_6 = arith.constant 128 : i32
    %mul3A_7 = arith.constant 624 : i32
    %mul3A_8 = arith.muli %arg1, %mul3A_7 : i32
    %add3A_9 = arith.constant 0 : i32
    %add3A_10 = arith.addi %mul3A_8, %add3A_9 : i32
    "tpu.region"() ({
      %run_scoped3A = tpu.sem_alloc : memref<!tpu.dma_semaphore, #tpu.memory_space<semaphore_mem>>
      %dma_start3A_233 = arith.constant 0 : i32
      %dma_start3A_234 = arith.constant 0 : i32
      %dma_start3A_235 = tpu.memref_slice %arg6[%dma_start3A_233, %dma_start3A_234] : memref<128x128xf32, #tpu.memory_space<vmem>> -> memref<128x128xf32, #tpu.memory_space<vmem>>
      %dma_start3A_236 = arith.constant 0 : i32
      %dma_start3A_237 = tpu.memref_slice %arg21[%add3A_10, %dma_start3A_236] : memref<10000x128xf32, #tpu.memory_space<vmem_shared>> -> memref<128x128xf32, #tpu.memory_space<vmem_shared>>
      %dma_start3A_238 = arith.constant 0 : i32
      %dma_start3A_239 = tpu.memref_slice %arg21[%add3A_10, %dma_start3A_238] : memref<10000x128xf32, #tpu.memory_space<vmem_shared>> -> memref<128x128xf32, #tpu.memory_space<vmem_shared>>
      %dma_start3A_240 = arith.constant 0 : i32
      %dma_start3A_241 = arith.constant 0 : i32
      %dma_start3A_242 = tpu.memref_slice %arg6[%dma_start3A_240, %dma_start3A_241] : memref<128x128xf32, #tpu.memory_space<vmem>> -> memref<128x128xf32, #tpu.memory_space<vmem>>
      tpu.enqueue_dma source(%dma_start3A_242 : memref<128x128xf32, #tpu.memory_space<vmem>>) target(%dma_start3A_239 : memref<128x128xf32, #tpu.memory_space<vmem_shared>>) target_semaphore(%run_scoped3A : memref<!tpu.dma_semaphore, #tpu.memory_space<semaphore_mem>>)
      %dma_wait3A_243 = arith.constant 0 : i32
      %dma_wait3A_244 = arith.constant 0 : i32
      %dma_wait3A_245 = tpu.memref_slice %arg6[%dma_wait3A_243, %dma_wait3A_244] : memref<128x128xf32, #tpu.memory_space<vmem>> -> memref<128x128xf32, #tpu.memory_space<vmem>>
      %dma_wait3A_246 = arith.constant 0 : i32
      %dma_wait3A_247 = tpu.memref_slice %arg21[%add3A_10, %dma_wait3A_246] : memref<10000x128xf32, #tpu.memory_space<vmem_shared>> -> memref<128x128xf32, #tpu.memory_space<vmem_shared>>
      %dma_wait3A_248 = arith.constant 0 : i32
      %dma_wait3A_249 = tpu.memref_slice %arg21[%add3A_10, %dma_wait3A_248] : memref<10000x128xf32, #tpu.memory_space<vmem_shared>> -> memref<128x128xf32, #tpu.memory_space<vmem_shared>>
      %dma_wait3A_250 = arith.constant 0 : i32
      %dma_wait3A_251 = arith.constant 0 : i32
      %dma_wait3A_252 = tpu.memref_slice %arg6[%dma_wait3A_250, %dma_wait3A_251] : memref<128x128xf32, #tpu.memory_space<vmem>> -> memref<128x128xf32, #tpu.memory_space<vmem>>
      tpu.wait_dma2 semaphore(%run_scoped3A : memref<!tpu.dma_semaphore, #tpu.memory_space<semaphore_mem>>) src(%dma_wait3A_252 : memref<128x128xf32, #tpu.memory_space<vmem>>) dst(%dma_wait3A_249 : memref<128x128xf32, #tpu.memory_space<vmem_shared>>)
      tpu.yield
    }) : () -> ()
    %add3A_11 = arith.constant 128 : i32
    %add3A_12 = arith.addi %mul3A_8, %add3A_11 : i32
    "tpu.region"() ({
      %run_scoped3A = tpu.sem_alloc : memref<!tpu.dma_semaphore, #tpu.memory_space<semaphore_mem>>
      %dma_start3A_233 = arith.constant 0 : i32
      %dma_start3A_234 = arith.constant 0 : i32
      %dma_start3A_235 = tpu.memref_slice %arg6[%dma_start3A_233, %dma_start3A_234] : memref<128x128xf32, #tpu.memory_space<vmem>> -> memref<128x128xf32, #tpu.memory_space<vmem>>
      %dma_start3A_236 = arith.constant 0 : i32
      %dma_start3A_237 = tpu.memref_slice %arg21[%add3A_12, %dma_start3A_236] : memref<10000x128xf32, #tpu.memory_space<vmem_shared>> -> memref<128x128xf32, #tpu.memory_space<vmem_shared>>
      %dma_start3A_238 = arith.constant 0 : i32
      %dma_start3A_239 = tpu.memref_slice %arg21[%add3A_12, %dma_start3A_238] : memref<10000x128xf32, #tpu.memory_space<vmem_shared>> -> memref<128x128xf32, #tpu.memory_space<vmem_shared>>
      %dma_start3A_240 = arith.constant 0 : i32
      %dma_start3A_241 = arith.constant 0 : i32
      %dma_start3A_242 = tpu.memref_slice %arg6[%dma_start3A_240, %dma_start3A_241] : memref<128x128xf32, #tpu.memory_space<vmem>> -> memref<128x128xf32, #tpu.memory_space<vmem>>
      tpu.enqueue_dma source(%dma_start3A_242 : memref<128x128xf32, #tpu.memory_space<vmem>>) target(%dma_start3A_239 : memref<128x128xf32, #tpu.memory_space<vmem_shared>>) target_semaphore(%run_scoped3A : memref<!tpu.dma_semaphore, #tpu.memory_space<semaphore_mem>>)
      %dma_wait3A_243 = arith.constant 0 : i32
      %dma_wait3A_244 = arith.constant 0 : i32
      %dma_wait3A_245 = tpu.memref_slice %arg6[%dma_wait3A_243, %dma_wait3A_244] : memref<128x128xf32, #tpu.memory_space<vmem>> -> memref<128x128xf32, #tpu.memory_space<vmem>>
      %dma_wait3A_246 = arith.constant 0 : i32
      %dma_wait3A_247 = tpu.memref_slice %arg21[%add3A_12, %dma_wait3A_246] : memref<10000x128xf32, #tpu.memory_space<vmem_shared>> -> memref<128x128xf32, #tpu.memory_space<vmem_shared>>
      %dma_wait3A_248 = arith.constant 0 : i32
      %dma_wait3A_249 = tpu.memref_slice %arg21[%add3A_12, %dma_wait3A_248] : memref<10000x128xf32, #tpu.memory_space<vmem_shared>> -> memref<128x128xf32, #tpu.memory_space<vmem_shared>>
      %dma_wait3A_250 = arith.constant 0 : i32
      %dma_wait3A_251 = arith.constant 0 : i32
      %dma_wait3A_252 = tpu.memref_slice %arg6[%dma_wait3A_250, %dma_wait3A_251] : memref<128x128xf32, #tpu.memory_space<vmem>> -> memref<128x128xf32, #tpu.memory_space<vmem>>
      tpu.wait_dma2 semaphore(%run_scoped3A : memref<!tpu.dma_semaphore, #tpu.memory_space<semaphore_mem>>) src(%dma_wait3A_252 : memref<128x128xf32, #tpu.memory_space<vmem>>) dst(%dma_wait3A_249 : memref<128x128xf32, #tpu.memory_space<vmem_shared>>)
      tpu.yield
    }) : () -> ()
    %add3A_13 = arith.constant 256 : i32
    %add3A_14 = arith.addi %mul3A_8, %add3A_13 : i32
    "tpu.region"() ({
      %run_scoped3A = tpu.sem_alloc : memref<!tpu.dma_semaphore, #tpu.memory_space<semaphore_mem>>
      %dma_start3A_233 = arith.constant 0 : i32
      %dma_start3A_234 = arith.constant 0 : i32
      %dma_start3A_235 = tpu.memref_slice %arg6[%dma_start3A_233, %dma_start3A_234] : memref<128x128xf32, #tpu.memory_space<vmem>> -> memref<128x128xf32, #tpu.memory_space<vmem>>
      %dma_start3A_236 = arith.constant 0 : i32
      %dma_start3A_237 = tpu.memref_slice %arg21[%add3A_14, %dma_start3A_236] : memref<10000x128xf32, #tpu.memory_space<vmem_shared>> -> memref<128x128xf32, #tpu.memory_space<vmem_shared>>
      %dma_start3A_238 = arith.constant 0 : i32
      %dma_start3A_239 = tpu.memref_slice %arg21[%add3A_14, %dma_start3A_238] : memref<10000x128xf32, #tpu.memory_space<vmem_shared>> -> memref<128x128xf32, #tpu.memory_space<vmem_shared>>
      %dma_start3A_240 = arith.constant 0 : i32
      %dma_start3A_241 = arith.constant 0 : i32
      %dma_start3A_242 = tpu.memref_slice %arg6[%dma_start3A_240, %dma_start3A_241] : memref<128x128xf32, #tpu.memory_space<vmem>> -> memref<128x128xf32, #tpu.memory_space<vmem>>
      tpu.enqueue_dma source(%dma_start3A_242 : memref<128x128xf32, #tpu.memory_space<vmem>>) target(%dma_start3A_239 : memref<128x128xf32, #tpu.memory_space<vmem_shared>>) target_semaphore(%run_scoped3A : memref<!tpu.dma_semaphore, #tpu.memory_space<semaphore_mem>>)
      %dma_wait3A_243 = arith.constant 0 : i32
      %dma_wait3A_244 = arith.constant 0 : i32
      %dma_wait3A_245 = tpu.memref_slice %arg6[%dma_wait3A_243, %dma_wait3A_244] : memref<128x128xf32, #tpu.memory_space<vmem>> -> memref<128x128xf32, #tpu.memory_space<vmem>>
      %dma_wait3A_246 = arith.constant 0 : i32
      %dma_wait3A_247 = tpu.memref_slice %arg21[%add3A_14, %dma_wait3A_246] : memref<10000x128xf32, #tpu.memory_space<vmem_shared>> -> memref<128x128xf32, #tpu.memory_space<vmem_shared>>
      %dma_wait3A_248 = arith.constant 0 : i32
      %dma_wait3A_249 = tpu.memref_slice %arg21[%add3A_14, %dma_wait3A_248] : memref<10000x128xf32, #tpu.memory_space<vmem_shared>> -> memref<128x128xf32, #tpu.memory_space<vmem_shared>>
      %dma_wait3A_250 = arith.constant 0 : i32
      %dma_wait3A_251 = arith.constant 0 : i32
      %dma_wait3A_252 = tpu.memref_slice %arg6[%dma_wait3A_250, %dma_wait3A_251] : memref<128x128xf32, #tpu.memory_space<vmem>> -> memref<128x128xf32, #tpu.memory_space<vmem>>
      tpu.wait_dma2 semaphore(%run_scoped3A : memref<!tpu.dma_semaphore, #tpu.memory_space<semaphore_mem>>) src(%dma_wait3A_252 : memref<128x128xf32, #tpu.memory_space<vmem>>) dst(%dma_wait3A_249 : memref<128x128xf32, #tpu.memory_space<vmem_shared>>)
      tpu.yield
    }) : () -> ()
    %add3A_15 = arith.constant 384 : i32
    %add3A_16 = arith.addi %mul3A_8, %add3A_15 : i32
    "tpu.region"() ({
      %run_scoped3A = tpu.sem_alloc : memref<!tpu.dma_semaphore, #tpu.memory_space<semaphore_mem>>
      %dma_start3A_233 = arith.constant 0 : i32
      %dma_start3A_234 = arith.constant 0 : i32
      %dma_start3A_235 = tpu.memref_slice %arg6[%dma_start3A_233, %dma_start3A_234] : memref<128x128xf32, #tpu.memory_space<vmem>> -> memref<128x128xf32, #tpu.memory_space<vmem>>
      %dma_start3A_236 = arith.constant 0 : i32
      %dma_start3A_237 = tpu.memref_slice %arg21[%add3A_16, %dma_start3A_236] : memref<10000x128xf32, #tpu.memory_space<vmem_shared>> -> memref<128x128xf32, #tpu.memory_space<vmem_shared>>
      %dma_start3A_238 = arith.constant 0 : i32
      %dma_start3A_239 = tpu.memref_slice %arg21[%add3A_16, %dma_start3A_238] : memref<10000x128xf32, #tpu.memory_space<vmem_shared>> -> memref<128x128xf32, #tpu.memory_space<vmem_shared>>
      %dma_start3A_240 = arith.constant 0 : i32
      %dma_start3A_241 = arith.constant 0 : i32
      %dma_start3A_242 = tpu.memref_slice %arg6[%dma_start3A_240, %dma_start3A_241] : memref<128x128xf32, #tpu.memory_space<vmem>> -> memref<128x128xf32, #tpu.memory_space<vmem>>
      tpu.enqueue_dma source(%dma_start3A_242 : memref<128x128xf32, #tpu.memory_space<vmem>>) target(%dma_start3A_239 : memref<128x128xf32, #tpu.memory_space<vmem_shared>>) target_semaphore(%run_scoped3A : memref<!tpu.dma_semaphore, #tpu.memory_space<semaphore_mem>>)
      %dma_wait3A_243 = arith.constant 0 : i32
      %dma_wait3A_244 = arith.constant 0 : i32
      %dma_wait3A_245 = tpu.memref_slice %arg6[%dma_wait3A_243, %dma_wait3A_244] : memref<128x128xf32, #tpu.memory_space<vmem>> -> memref<128x128xf32, #tpu.memory_space<vmem>>
      %dma_wait3A_246 = arith.constant 0 : i32
      %dma_wait3A_247 = tpu.memref_slice %arg21[%add3A_16, %dma_wait3A_246] : memref<10000x128xf32, #tpu.memory_space<vmem_shared>> -> memref<128x128xf32, #tpu.memory_space<vmem_shared>>
      %dma_wait3A_248 = arith.constant 0 : i32
      %dma_wait3A_249 = tpu.memref_slice %arg21[%add3A_16, %dma_wait3A_248] : memref<10000x128xf32, #tpu.memory_space<vmem_shared>> -> memref<128x128xf32, #tpu.memory_space<vmem_shared>>
      %dma_wait3A_250 = arith.constant 0 : i32
      %dma_wait3A_251 = arith.constant 0 : i32
      %dma_wait3A_252 = tpu.memref_slice %arg6[%dma_wait3A_250, %dma_wait3A_251] : memref<128x128xf32, #tpu.memory_space<vmem>> -> memref<128x128xf32, #tpu.memory_space<vmem>>
      tpu.wait_dma2 semaphore(%run_scoped3A : memref<!tpu.dma_semaphore, #tpu.memory_space<semaphore_mem>>) src(%dma_wait3A_252 : memref<128x128xf32, #tpu.memory_space<vmem>>) dst(%dma_wait3A_249 : memref<128x128xf32, #tpu.memory_space<vmem_shared>>)
      tpu.yield
    }) : () -> ()
    %add3A_17 = arith.constant 512 : i32
    %add3A_18 = arith.addi %mul3A_8, %add3A_17 : i32
    "tpu.region"() ({
      %run_scoped3A = tpu.sem_alloc : memref<!tpu.dma_semaphore, #tpu.memory_space<semaphore_mem>>
      %dma_start3A_233 = arith.constant 0 : i32
      %dma_start3A_234 = arith.constant 0 : i32
      %dma_start3A_235 = tpu.memref_slice %arg6[%dma_start3A_233, %dma_start3A_234] : memref<128x128xf32, #tpu.memory_space<vmem>> -> memref<112x128xf32, #tpu.memory_space<vmem>>
      %dma_start3A_236 = arith.constant 0 : i32
      %dma_start3A_237 = tpu.memref_slice %arg21[%add3A_18, %dma_start3A_236] : memref<10000x128xf32, #tpu.memory_space<vmem_shared>> -> memref<112x128xf32, #tpu.memory_space<vmem_shared>>
      %dma_start3A_238 = arith.constant 0 : i32
      %dma_start3A_239 = tpu.memref_slice %arg21[%add3A_18, %dma_start3A_238] : memref<10000x128xf32, #tpu.memory_space<vmem_shared>> -> memref<112x128xf32, #tpu.memory_space<vmem_shared>>
      %dma_start3A_240 = arith.constant 0 : i32
      %dma_start3A_241 = arith.constant 0 : i32
      %dma_start3A_242 = tpu.memref_slice %arg6[%dma_start3A_240, %dma_start3A_241] : memref<128x128xf32, #tpu.memory_space<vmem>> -> memref<112x128xf32, #tpu.memory_space<vmem>>
      tpu.enqueue_dma source(%dma_start3A_242 : memref<112x128xf32, #tpu.memory_space<vmem>>) target(%dma_start3A_239 : memref<112x128xf32, #tpu.memory_space<vmem_shared>>) target_semaphore(%run_scoped3A : memref<!tpu.dma_semaphore, #tpu.memory_space<semaphore_mem>>)
      %dma_wait3A_243 = arith.constant 0 : i32
      %dma_wait3A_244 = arith.constant 0 : i32
      %dma_wait3A_245 = tpu.memref_slice %arg6[%dma_wait3A_243, %dma_wait3A_244] : memref<128x128xf32, #tpu.memory_space<vmem>> -> memref<112x128xf32, #tpu.memory_space<vmem>>
      %dma_wait3A_246 = arith.constant 0 : i32
      %dma_wait3A_247 = tpu.memref_slice %arg21[%add3A_18, %dma_wait3A_246] : memref<10000x128xf32, #tpu.memory_space<vmem_shared>> -> memref<112x128xf32, #tpu.memory_space<vmem_shared>>
      %dma_wait3A_248 = arith.constant 0 : i32
      %dma_wait3A_249 = tpu.memref_slice %arg21[%add3A_18, %dma_wait3A_248] : memref<10000x128xf32, #tpu.memory_space<vmem_shared>> -> memref<112x128xf32, #tpu.memory_space<vmem_shared>>
      %dma_wait3A_250 = arith.constant 0 : i32
      %dma_wait3A_251 = arith.constant 0 : i32
      %dma_wait3A_252 = tpu.memref_slice %arg6[%dma_wait3A_250, %dma_wait3A_251] : memref<128x128xf32, #tpu.memory_space<vmem>> -> memref<112x128xf32, #tpu.memory_space<vmem>>
      tpu.wait_dma2 semaphore(%run_scoped3A : memref<!tpu.dma_semaphore, #tpu.memory_space<semaphore_mem>>) src(%dma_wait3A_252 : memref<112x128xf32, #tpu.memory_space<vmem>>) dst(%dma_wait3A_249 : memref<112x128xf32, #tpu.memory_space<vmem_shared>>)
      tpu.yield
    }) : () -> ()
    %eq3A = arith.constant 15 : i32
    %eq3A_19 = arith.cmpi eq, %arg1, %eq3A : i32
    %convert_element_type3A = arith.extui %eq3A_19 : i1 to i32
    %cond3A = arith.constant 0 : i32
    %cond3A_20 = arith.cmpi ne, %convert_element_type3A, %cond3A : i32
    scf.if %cond3A_20 {
      "tpu.region"() ({
        %run_scoped3A = tpu.sem_alloc : memref<!tpu.dma_semaphore, #tpu.memory_space<semaphore_mem>>
        %dma_start3A_233 = arith.constant 0 : i32
        %dma_start3A_234 = arith.constant 0 : i32
        %dma_start3A_235 = tpu.memref_slice %arg6[%dma_start3A_233, %dma_start3A_234] : memref<128x128xf32, #tpu.memory_space<vmem>> -> memref<16x128xf32, #tpu.memory_space<vmem>>
        %dma_start3A_236 = arith.constant 9984 : i32
        %dma_start3A_237 = arith.constant 0 : i32
        %dma_start3A_238 = tpu.memref_slice %arg21[%dma_start3A_236, %dma_start3A_237] : memref<10000x128xf32, #tpu.memory_space<vmem_shared>> -> memref<16x128xf32, #tpu.memory_space<vmem_shared>>
        %dma_start3A_239 = arith.constant 9984 : i32
        %dma_start3A_240 = arith.constant 0 : i32
        %dma_start3A_241 = tpu.memref_slice %arg21[%dma_start3A_239, %dma_start3A_240] : memref<10000x128xf32, #tpu.memory_space<vmem_shared>> -> memref<16x128xf32, #tpu.memory_space<vmem_shared>>
        %dma_start3A_242 = arith.constant 0 : i32
        %dma_start3A_243 = arith.constant 0 : i32
        %dma_start3A_244 = tpu.memref_slice %arg6[%dma_start3A_242, %dma_start3A_243] : memref<128x128xf32, #tpu.memory_space<vmem>> -> memref<16x128xf32, #tpu.memory_space<vmem>>
        tpu.enqueue_dma source(%dma_start3A_244 : memref<16x128xf32, #tpu.memory_space<vmem>>) target(%dma_start3A_241 : memref<16x128xf32, #tpu.memory_space<vmem_shared>>) target_semaphore(%run_scoped3A : memref<!tpu.dma_semaphore, #tpu.memory_space<semaphore_mem>>)
        %dma_wait3A_245 = arith.constant 0 : i32
        %dma_wait3A_246 = arith.constant 0 : i32
        %dma_wait3A_247 = tpu.memref_slice %arg6[%dma_wait3A_245, %dma_wait3A_246] : memref<128x128xf32, #tpu.memory_space<vmem>> -> memref<16x128xf32, #tpu.memory_space<vmem>>
        %dma_wait3A_248 = arith.constant 9984 : i32
        %dma_wait3A_249 = arith.constant 0 : i32
        %dma_wait3A_250 = tpu.memref_slice %arg21[%dma_wait3A_248, %dma_wait3A_249] : memref<10000x128xf32, #tpu.memory_space<vmem_shared>> -> memref<16x128xf32, #tpu.memory_space<vmem_shared>>
        %dma_wait3A_251 = arith.constant 9984 : i32
        %dma_wait3A_252 = arith.constant 0 : i32
        %dma_wait3A_253 = tpu.memref_slice %arg21[%dma_wait3A_251, %dma_wait3A_252] : memref<10000x128xf32, #tpu.memory_space<vmem_shared>> -> memref<16x128xf32, #tpu.memory_space<vmem_shared>>
        %dma_wait3A_254 = arith.constant 0 : i32
        %dma_wait3A_255 = arith.constant 0 : i32
        %dma_wait3A_256 = tpu.memref_slice %arg6[%dma_wait3A_254, %dma_wait3A_255] : memref<128x128xf32, #tpu.memory_space<vmem>> -> memref<16x128xf32, #tpu.memory_space<vmem>>
        tpu.wait_dma2 semaphore(%run_scoped3A : memref<!tpu.dma_semaphore, #tpu.memory_space<semaphore_mem>>) src(%dma_wait3A_256 : memref<16x128xf32, #tpu.memory_space<vmem>>) dst(%dma_wait3A_253 : memref<16x128xf32, #tpu.memory_space<vmem_shared>>)
        tpu.yield
      }) : () -> ()
    } else {
    }
    %barrier3A = arith.constant 0 : index
    tpu.barrier barrier_id(%barrier3A)
    %mul3A_21 = arith.constant 9984 : i32
    %mul3A_22 = arith.muli %add3A, %mul3A_21 : i32
    %add3A_23 = arith.constant 0 : i32
    %add3A_24 = arith.addi %mul3A_22, %add3A_23 : i32
    %add3A_25 = arith.constant 384 : i32
    %add3A_26 = arith.addi %add3A_24, %add3A_25 : i32
    %add3A_27 = arith.constant 0 : i32
    %add3A_28 = arith.addi %add3A_24, %add3A_27 : i32
    "tpu.region"() ({
      %run_scoped3A = tpu.sem_alloc : memref<!tpu.dma_semaphore, #tpu.memory_space<semaphore_mem>>
      %dma_start3A_233 = tpu.memref_slice %arg4[%add3A_28] : memref<320000xi32, #tpu.memory_space<hbm>> -> memref<128xi32, #tpu.memory_space<hbm>>
      %dma_start3A_234 = tpu.memref_slice %arg4[%add3A_28] : memref<320000xi32, #tpu.memory_space<hbm>> -> memref<128xi32, #tpu.memory_space<hbm>>
      tpu.enqueue_dma source(%dma_start3A_234 : memref<128xi32, #tpu.memory_space<hbm>>) target(%arg9 : memref<128xi32, #tpu.memory_space<vmem>>) target_semaphore(%run_scoped3A : memref<!tpu.dma_semaphore, #tpu.memory_space<semaphore_mem>>)
      %dma_wait3A_235 = tpu.memref_slice %arg4[%add3A_28] : memref<320000xi32, #tpu.memory_space<hbm>> -> memref<128xi32, #tpu.memory_space<hbm>>
      %dma_wait3A_236 = tpu.memref_slice %arg4[%add3A_28] : memref<320000xi32, #tpu.memory_space<hbm>> -> memref<128xi32, #tpu.memory_space<hbm>>
      tpu.wait_dma2 semaphore(%run_scoped3A : memref<!tpu.dma_semaphore, #tpu.memory_space<semaphore_mem>>) src(%dma_wait3A_236 : memref<128xi32, #tpu.memory_space<hbm>>) dst(%arg9 : memref<128xi32, #tpu.memory_space<vmem>>)
      tpu.yield
    }) : () -> ()
    %add3A_29 = arith.constant 0 : i32
    %add3A_30 = arith.addi %add3A_24, %add3A_29 : i32
    "tpu.region"() ({
      %run_scoped3A = tpu.sem_alloc : memref<!tpu.dma_semaphore, #tpu.memory_space<semaphore_mem>>
      %dma_start3A_233 = tpu.memref_slice %arg3[%add3A_30] : memref<320000xi32, #tpu.memory_space<hbm>> -> memref<128xi32, #tpu.memory_space<hbm>>
      %dma_start3A_234 = tpu.memref_slice %arg3[%add3A_30] : memref<320000xi32, #tpu.memory_space<hbm>> -> memref<128xi32, #tpu.memory_space<hbm>>
      tpu.enqueue_dma source(%dma_start3A_234 : memref<128xi32, #tpu.memory_space<hbm>>) target(%arg15 : memref<128xi32, #tpu.memory_space<vmem>>) target_semaphore(%run_scoped3A : memref<!tpu.dma_semaphore, #tpu.memory_space<semaphore_mem>>)
      %dma_wait3A_235 = tpu.memref_slice %arg3[%add3A_30] : memref<320000xi32, #tpu.memory_space<hbm>> -> memref<128xi32, #tpu.memory_space<hbm>>
      %dma_wait3A_236 = tpu.memref_slice %arg3[%add3A_30] : memref<320000xi32, #tpu.memory_space<hbm>> -> memref<128xi32, #tpu.memory_space<hbm>>
      tpu.wait_dma2 semaphore(%run_scoped3A : memref<!tpu.dma_semaphore, #tpu.memory_space<semaphore_mem>>) src(%dma_wait3A_236 : memref<128xi32, #tpu.memory_space<hbm>>) dst(%arg15 : memref<128xi32, #tpu.memory_space<vmem>>)
      tpu.yield
    }) : () -> ()
    %dma_start3A = arith.constant 0 : i32
    %dma_start3A_31 = arith.constant 0 : i32
    %dma_start3A_32 = tpu.memref_slice %arg2[%dma_start3A, %dma_start3A_31] : memref<10000x128xf32, #tpu.memory_space<hbm>> -> memref<10000x128xf32, #tpu.memory_space<hbm>>
    tpu.enqueue_indirect_dma source(%dma_start3A_32 : memref<10000x128xf32, #tpu.memory_space<hbm>>) target(%arg6 : memref<128x128xf32, #tpu.memory_space<vmem>>) offsets(%arg9 : memref<128xi32, #tpu.memory_space<vmem>>) semaphore(%arg22 : memref<!tpu.dma_semaphore, #tpu.memory_space<semaphore_mem>>)
    %add3A_33 = arith.constant 0 : i32
    %add3A_34 = arith.addi %add3A_26, %add3A_33 : i32
    %dma_start3A_35 = tpu.memref_slice %arg4[%add3A_34] : memref<320000xi32, #tpu.memory_space<hbm>> -> memref<128xi32, #tpu.memory_space<hbm>>
    %dma_start3A_36 = tpu.memref_slice %arg4[%add3A_34] : memref<320000xi32, #tpu.memory_space<hbm>> -> memref<128xi32, #tpu.memory_space<hbm>>
    tpu.enqueue_dma source(%dma_start3A_36 : memref<128xi32, #tpu.memory_space<hbm>>) target(%arg12 : memref<128xi32, #tpu.memory_space<vmem>>) target_semaphore(%arg28 : memref<!tpu.dma_semaphore, #tpu.memory_space<semaphore_mem>>)
    %add3A_37 = arith.constant 0 : i32
    %add3A_38 = arith.addi %add3A_26, %add3A_37 : i32
    %dma_start3A_39 = tpu.memref_slice %arg3[%add3A_38] : memref<320000xi32, #tpu.memory_space<hbm>> -> memref<128xi32, #tpu.memory_space<hbm>>
    %dma_start3A_40 = tpu.memref_slice %arg3[%add3A_38] : memref<320000xi32, #tpu.memory_space<hbm>> -> memref<128xi32, #tpu.memory_space<hbm>>
    tpu.enqueue_dma source(%dma_start3A_40 : memref<128xi32, #tpu.memory_space<hbm>>) target(%arg18 : memref<128xi32, #tpu.memory_space<vmem>>) target_semaphore(%arg31 : memref<!tpu.dma_semaphore, #tpu.memory_space<semaphore_mem>>)
    %add3A_41 = arith.constant 128 : i32
    %add3A_42 = arith.addi %add3A_24, %add3A_41 : i32
    "tpu.region"() ({
      %run_scoped3A = tpu.sem_alloc : memref<!tpu.dma_semaphore, #tpu.memory_space<semaphore_mem>>
      %dma_start3A_233 = tpu.memref_slice %arg4[%add3A_42] : memref<320000xi32, #tpu.memory_space<hbm>> -> memref<128xi32, #tpu.memory_space<hbm>>
      %dma_start3A_234 = tpu.memref_slice %arg4[%add3A_42] : memref<320000xi32, #tpu.memory_space<hbm>> -> memref<128xi32, #tpu.memory_space<hbm>>
      tpu.enqueue_dma source(%dma_start3A_234 : memref<128xi32, #tpu.memory_space<hbm>>) target(%arg10 : memref<128xi32, #tpu.memory_space<vmem>>) target_semaphore(%run_scoped3A : memref<!tpu.dma_semaphore, #tpu.memory_space<semaphore_mem>>)
      %dma_wait3A_235 = tpu.memref_slice %arg4[%add3A_42] : memref<320000xi32, #tpu.memory_space<hbm>> -> memref<128xi32, #tpu.memory_space<hbm>>
      %dma_wait3A_236 = tpu.memref_slice %arg4[%add3A_42] : memref<320000xi32, #tpu.memory_space<hbm>> -> memref<128xi32, #tpu.memory_space<hbm>>
      tpu.wait_dma2 semaphore(%run_scoped3A : memref<!tpu.dma_semaphore, #tpu.memory_space<semaphore_mem>>) src(%dma_wait3A_236 : memref<128xi32, #tpu.memory_space<hbm>>) dst(%arg10 : memref<128xi32, #tpu.memory_space<vmem>>)
      tpu.yield
    }) : () -> ()
    %add3A_43 = arith.constant 128 : i32
    %add3A_44 = arith.addi %add3A_24, %add3A_43 : i32
    "tpu.region"() ({
      %run_scoped3A = tpu.sem_alloc : memref<!tpu.dma_semaphore, #tpu.memory_space<semaphore_mem>>
      %dma_start3A_233 = tpu.memref_slice %arg3[%add3A_44] : memref<320000xi32, #tpu.memory_space<hbm>> -> memref<128xi32, #tpu.memory_space<hbm>>
      %dma_start3A_234 = tpu.memref_slice %arg3[%add3A_44] : memref<320000xi32, #tpu.memory_space<hbm>> -> memref<128xi32, #tpu.memory_space<hbm>>
      tpu.enqueue_dma source(%dma_start3A_234 : memref<128xi32, #tpu.memory_space<hbm>>) target(%arg16 : memref<128xi32, #tpu.memory_space<vmem>>) target_semaphore(%run_scoped3A : memref<!tpu.dma_semaphore, #tpu.memory_space<semaphore_mem>>)
      %dma_wait3A_235 = tpu.memref_slice %arg3[%add3A_44] : memref<320000xi32, #tpu.memory_space<hbm>> -> memref<128xi32, #tpu.memory_space<hbm>>
      %dma_wait3A_236 = tpu.memref_slice %arg3[%add3A_44] : memref<320000xi32, #tpu.memory_space<hbm>> -> memref<128xi32, #tpu.memory_space<hbm>>
      tpu.wait_dma2 semaphore(%run_scoped3A : memref<!tpu.dma_semaphore, #tpu.memory_space<semaphore_mem>>) src(%dma_wait3A_236 : memref<128xi32, #tpu.memory_space<hbm>>) dst(%arg16 : memref<128xi32, #tpu.memory_space<vmem>>)
      tpu.yield
    }) : () -> ()
    %dma_start3A_45 = arith.constant 0 : i32
    %dma_start3A_46 = arith.constant 0 : i32
    %dma_start3A_47 = tpu.memref_slice %arg2[%dma_start3A_45, %dma_start3A_46] : memref<10000x128xf32, #tpu.memory_space<hbm>> -> memref<10000x128xf32, #tpu.memory_space<hbm>>
    tpu.enqueue_indirect_dma source(%dma_start3A_47 : memref<10000x128xf32, #tpu.memory_space<hbm>>) target(%arg7 : memref<128x128xf32, #tpu.memory_space<vmem>>) offsets(%arg10 : memref<128xi32, #tpu.memory_space<vmem>>) semaphore(%arg23 : memref<!tpu.dma_semaphore, #tpu.memory_space<semaphore_mem>>)
    %add3A_48 = arith.constant 128 : i32
    %add3A_49 = arith.addi %add3A_26, %add3A_48 : i32
    %dma_start3A_50 = tpu.memref_slice %arg4[%add3A_49] : memref<320000xi32, #tpu.memory_space<hbm>> -> memref<128xi32, #tpu.memory_space<hbm>>
    %dma_start3A_51 = tpu.memref_slice %arg4[%add3A_49] : memref<320000xi32, #tpu.memory_space<hbm>> -> memref<128xi32, #tpu.memory_space<hbm>>
    tpu.enqueue_dma source(%dma_start3A_51 : memref<128xi32, #tpu.memory_space<hbm>>) target(%arg13 : memref<128xi32, #tpu.memory_space<vmem>>) target_semaphore(%arg29 : memref<!tpu.dma_semaphore, #tpu.memory_space<semaphore_mem>>)
    %add3A_52 = arith.constant 128 : i32
    %add3A_53 = arith.addi %add3A_26, %add3A_52 : i32
    %dma_start3A_54 = tpu.memref_slice %arg3[%add3A_53] : memref<320000xi32, #tpu.memory_space<hbm>> -> memref<128xi32, #tpu.memory_space<hbm>>
    %dma_start3A_55 = tpu.memref_slice %arg3[%add3A_53] : memref<320000xi32, #tpu.memory_space<hbm>> -> memref<128xi32, #tpu.memory_space<hbm>>
    tpu.enqueue_dma source(%dma_start3A_55 : memref<128xi32, #tpu.memory_space<hbm>>) target(%arg19 : memref<128xi32, #tpu.memory_space<vmem>>) target_semaphore(%arg32 : memref<!tpu.dma_semaphore, #tpu.memory_space<semaphore_mem>>)
    %add3A_56 = arith.constant 256 : i32
    %add3A_57 = arith.addi %add3A_24, %add3A_56 : i32
    "tpu.region"() ({
      %run_scoped3A = tpu.sem_alloc : memref<!tpu.dma_semaphore, #tpu.memory_space<semaphore_mem>>
      %dma_start3A_233 = tpu.memref_slice %arg4[%add3A_57] : memref<320000xi32, #tpu.memory_space<hbm>> -> memref<128xi32, #tpu.memory_space<hbm>>
      %dma_start3A_234 = tpu.memref_slice %arg4[%add3A_57] : memref<320000xi32, #tpu.memory_space<hbm>> -> memref<128xi32, #tpu.memory_space<hbm>>
      tpu.enqueue_dma source(%dma_start3A_234 : memref<128xi32, #tpu.memory_space<hbm>>) target(%arg11 : memref<128xi32, #tpu.memory_space<vmem>>) target_semaphore(%run_scoped3A : memref<!tpu.dma_semaphore, #tpu.memory_space<semaphore_mem>>)
      %dma_wait3A_235 = tpu.memref_slice %arg4[%add3A_57] : memref<320000xi32, #tpu.memory_space<hbm>> -> memref<128xi32, #tpu.memory_space<hbm>>
      %dma_wait3A_236 = tpu.memref_slice %arg4[%add3A_57] : memref<320000xi32, #tpu.memory_space<hbm>> -> memref<128xi32, #tpu.memory_space<hbm>>
      tpu.wait_dma2 semaphore(%run_scoped3A : memref<!tpu.dma_semaphore, #tpu.memory_space<semaphore_mem>>) src(%dma_wait3A_236 : memref<128xi32, #tpu.memory_space<hbm>>) dst(%arg11 : memref<128xi32, #tpu.memory_space<vmem>>)
      tpu.yield
    }) : () -> ()
    %add3A_58 = arith.constant 256 : i32
    %add3A_59 = arith.addi %add3A_24, %add3A_58 : i32
    "tpu.region"() ({
      %run_scoped3A = tpu.sem_alloc : memref<!tpu.dma_semaphore, #tpu.memory_space<semaphore_mem>>
      %dma_start3A_233 = tpu.memref_slice %arg3[%add3A_59] : memref<320000xi32, #tpu.memory_space<hbm>> -> memref<128xi32, #tpu.memory_space<hbm>>
      %dma_start3A_234 = tpu.memref_slice %arg3[%add3A_59] : memref<320000xi32, #tpu.memory_space<hbm>> -> memref<128xi32, #tpu.memory_space<hbm>>
      tpu.enqueue_dma source(%dma_start3A_234 : memref<128xi32, #tpu.memory_space<hbm>>) target(%arg17 : memref<128xi32, #tpu.memory_space<vmem>>) target_semaphore(%run_scoped3A : memref<!tpu.dma_semaphore, #tpu.memory_space<semaphore_mem>>)
      %dma_wait3A_235 = tpu.memref_slice %arg3[%add3A_59] : memref<320000xi32, #tpu.memory_space<hbm>> -> memref<128xi32, #tpu.memory_space<hbm>>
      %dma_wait3A_236 = tpu.memref_slice %arg3[%add3A_59] : memref<320000xi32, #tpu.memory_space<hbm>> -> memref<128xi32, #tpu.memory_space<hbm>>
      tpu.wait_dma2 semaphore(%run_scoped3A : memref<!tpu.dma_semaphore, #tpu.memory_space<semaphore_mem>>) src(%dma_wait3A_236 : memref<128xi32, #tpu.memory_space<hbm>>) dst(%arg17 : memref<128xi32, #tpu.memory_space<vmem>>)
      tpu.yield
    }) : () -> ()
    %dma_start3A_60 = arith.constant 0 : i32
    %dma_start3A_61 = arith.constant 0 : i32
    %dma_start3A_62 = tpu.memref_slice %arg2[%dma_start3A_60, %dma_start3A_61] : memref<10000x128xf32, #tpu.memory_space<hbm>> -> memref<10000x128xf32, #tpu.memory_space<hbm>>
    tpu.enqueue_indirect_dma source(%dma_start3A_62 : memref<10000x128xf32, #tpu.memory_space<hbm>>) target(%arg8 : memref<128x128xf32, #tpu.memory_space<vmem>>) offsets(%arg11 : memref<128xi32, #tpu.memory_space<vmem>>) semaphore(%arg24 : memref<!tpu.dma_semaphore, #tpu.memory_space<semaphore_mem>>)
    %add3A_63 = arith.constant 256 : i32
    %add3A_64 = arith.addi %add3A_26, %add3A_63 : i32
    %dma_start3A_65 = tpu.memref_slice %arg4[%add3A_64] : memref<320000xi32, #tpu.memory_space<hbm>> -> memref<128xi32, #tpu.memory_space<hbm>>
    %dma_start3A_66 = tpu.memref_slice %arg4[%add3A_64] : memref<320000xi32, #tpu.memory_space<hbm>> -> memref<128xi32, #tpu.memory_space<hbm>>
    tpu.enqueue_dma source(%dma_start3A_66 : memref<128xi32, #tpu.memory_space<hbm>>) target(%arg14 : memref<128xi32, #tpu.memory_space<vmem>>) target_semaphore(%arg30 : memref<!tpu.dma_semaphore, #tpu.memory_space<semaphore_mem>>)
    %add3A_67 = arith.constant 256 : i32
    %add3A_68 = arith.addi %add3A_26, %add3A_67 : i32
    %dma_start3A_69 = tpu.memref_slice %arg3[%add3A_68] : memref<320000xi32, #tpu.memory_space<hbm>> -> memref<128xi32, #tpu.memory_space<hbm>>
    %dma_start3A_70 = tpu.memref_slice %arg3[%add3A_68] : memref<320000xi32, #tpu.memory_space<hbm>> -> memref<128xi32, #tpu.memory_space<hbm>>
    tpu.enqueue_dma source(%dma_start3A_70 : memref<128xi32, #tpu.memory_space<hbm>>) target(%arg20 : memref<128xi32, #tpu.memory_space<vmem>>) target_semaphore(%arg33 : memref<!tpu.dma_semaphore, #tpu.memory_space<semaphore_mem>>)
    %dma_wait3A = arith.constant 0 : i32
    %dma_wait3A_71 = arith.constant 0 : i32
    %dma_wait3A_72 = tpu.memref_slice %arg2[%dma_wait3A, %dma_wait3A_71] : memref<10000x128xf32, #tpu.memory_space<hbm>> -> memref<10000x128xf32, #tpu.memory_space<hbm>>
    tpu.wait_indirect_dma semaphore(%arg22 : memref<!tpu.dma_semaphore, #tpu.memory_space<semaphore_mem>>) src(%dma_wait3A_72 : memref<10000x128xf32, #tpu.memory_space<hbm>>) dst(%arg6 : memref<128x128xf32, #tpu.memory_space<vmem>>)
    %dma_start3A_73 = arith.constant 0 : i32
    %dma_start3A_74 = arith.constant 0 : i32
    %dma_start3A_75 = tpu.memref_slice %arg21[%dma_start3A_73, %dma_start3A_74] : memref<10000x128xf32, #tpu.memory_space<vmem_shared>> -> memref<10000x128xf32, #tpu.memory_space<vmem_shared>>
    tpu.enqueue_indirect_dma source(%arg6 : memref<128x128xf32, #tpu.memory_space<vmem>>) target(%dma_start3A_75 : memref<10000x128xf32, #tpu.memory_space<vmem_shared>>) offsets(%arg15 : memref<128xi32, #tpu.memory_space<vmem>>) semaphore(%arg25 : memref<!tpu.dma_semaphore, #tpu.memory_space<semaphore_mem>>) {add = true}
    %dma_wait3A_76 = arith.constant 0 : i32
    %dma_wait3A_77 = arith.constant 0 : i32
    %dma_wait3A_78 = tpu.memref_slice %arg2[%dma_wait3A_76, %dma_wait3A_77] : memref<10000x128xf32, #tpu.memory_space<hbm>> -> memref<10000x128xf32, #tpu.memory_space<hbm>>
    tpu.wait_indirect_dma semaphore(%arg23 : memref<!tpu.dma_semaphore, #tpu.memory_space<semaphore_mem>>) src(%dma_wait3A_78 : memref<10000x128xf32, #tpu.memory_space<hbm>>) dst(%arg7 : memref<128x128xf32, #tpu.memory_space<vmem>>)
    %dma_start3A_79 = arith.constant 0 : i32
    %dma_start3A_80 = arith.constant 0 : i32
    %dma_start3A_81 = tpu.memref_slice %arg21[%dma_start3A_79, %dma_start3A_80] : memref<10000x128xf32, #tpu.memory_space<vmem_shared>> -> memref<10000x128xf32, #tpu.memory_space<vmem_shared>>
    tpu.enqueue_indirect_dma source(%arg7 : memref<128x128xf32, #tpu.memory_space<vmem>>) target(%dma_start3A_81 : memref<10000x128xf32, #tpu.memory_space<vmem_shared>>) offsets(%arg16 : memref<128xi32, #tpu.memory_space<vmem>>) semaphore(%arg26 : memref<!tpu.dma_semaphore, #tpu.memory_space<semaphore_mem>>) {add = true}
    %dma_wait3A_82 = arith.constant 0 : i32
    %dma_wait3A_83 = arith.constant 0 : i32
    %dma_wait3A_84 = tpu.memref_slice %arg2[%dma_wait3A_82, %dma_wait3A_83] : memref<10000x128xf32, #tpu.memory_space<hbm>> -> memref<10000x128xf32, #tpu.memory_space<hbm>>
    tpu.wait_indirect_dma semaphore(%arg24 : memref<!tpu.dma_semaphore, #tpu.memory_space<semaphore_mem>>) src(%dma_wait3A_84 : memref<10000x128xf32, #tpu.memory_space<hbm>>) dst(%arg8 : memref<128x128xf32, #tpu.memory_space<vmem>>)
    %dma_start3A_85 = arith.constant 0 : i32
    %dma_start3A_86 = arith.constant 0 : i32
    %dma_start3A_87 = tpu.memref_slice %arg21[%dma_start3A_85, %dma_start3A_86] : memref<10000x128xf32, #tpu.memory_space<vmem_shared>> -> memref<10000x128xf32, #tpu.memory_space<vmem_shared>>
    tpu.enqueue_indirect_dma source(%arg8 : memref<128x128xf32, #tpu.memory_space<vmem>>) target(%dma_start3A_87 : memref<10000x128xf32, #tpu.memory_space<vmem_shared>>) offsets(%arg17 : memref<128xi32, #tpu.memory_space<vmem>>) semaphore(%arg27 : memref<!tpu.dma_semaphore, #tpu.memory_space<semaphore_mem>>) {add = true}
    %add3A_88 = arith.constant 384 : i32
    %add3A_89 = arith.addi %mul3A_22, %add3A_88 : i32
    %add3A_90 = arith.constant 384 : i32
    %add3A_91 = arith.addi %add3A_89, %add3A_90 : i32
    %dma_wait3A_92 = arith.constant 0 : i32
    %dma_wait3A_93 = arith.constant 0 : i32
    %dma_wait3A_94 = tpu.memref_slice %arg21[%dma_wait3A_92, %dma_wait3A_93] : memref<10000x128xf32, #tpu.memory_space<vmem_shared>> -> memref<10000x128xf32, #tpu.memory_space<vmem_shared>>
    tpu.wait_indirect_dma semaphore(%arg25 : memref<!tpu.dma_semaphore, #tpu.memory_space<semaphore_mem>>) src(%arg6 : memref<128x128xf32, #tpu.memory_space<vmem>>) dst(%dma_wait3A_94 : memref<10000x128xf32, #tpu.memory_space<vmem_shared>>)
    %add3A_95 = arith.constant 0 : i32
    %add3A_96 = arith.addi %add3A_89, %add3A_95 : i32
    %dma_wait3A_97 = tpu.memref_slice %arg4[%add3A_96] : memref<320000xi32, #tpu.memory_space<hbm>> -> memref<128xi32, #tpu.memory_space<hbm>>
    %dma_wait3A_98 = tpu.memref_slice %arg4[%add3A_96] : memref<320000xi32, #tpu.memory_space<hbm>> -> memref<128xi32, #tpu.memory_space<hbm>>
    tpu.wait_dma2 semaphore(%arg28 : memref<!tpu.dma_semaphore, #tpu.memory_space<semaphore_mem>>) src(%dma_wait3A_98 : memref<128xi32, #tpu.memory_space<hbm>>) dst(%arg12 : memref<128xi32, #tpu.memory_space<vmem>>)
    %add3A_99 = arith.constant 0 : i32
    %add3A_100 = arith.addi %add3A_89, %add3A_99 : i32
    %dma_wait3A_101 = tpu.memref_slice %arg3[%add3A_100] : memref<320000xi32, #tpu.memory_space<hbm>> -> memref<128xi32, #tpu.memory_space<hbm>>
    %dma_wait3A_102 = tpu.memref_slice %arg3[%add3A_100] : memref<320000xi32, #tpu.memory_space<hbm>> -> memref<128xi32, #tpu.memory_space<hbm>>
    tpu.wait_dma2 semaphore(%arg31 : memref<!tpu.dma_semaphore, #tpu.memory_space<semaphore_mem>>) src(%dma_wait3A_102 : memref<128xi32, #tpu.memory_space<hbm>>) dst(%arg18 : memref<128xi32, #tpu.memory_space<vmem>>)
    %dma_start3A_103 = arith.constant 0 : i32
    %dma_start3A_104 = arith.constant 0 : i32
    %dma_start3A_105 = tpu.memref_slice %arg2[%dma_start3A_103, %dma_start3A_104] : memref<10000x128xf32, #tpu.memory_space<hbm>> -> memref<10000x128xf32, #tpu.memory_space<hbm>>
    tpu.enqueue_indirect_dma source(%dma_start3A_105 : memref<10000x128xf32, #tpu.memory_space<hbm>>) target(%arg6 : memref<128x128xf32, #tpu.memory_space<vmem>>) offsets(%arg12 : memref<128xi32, #tpu.memory_space<vmem>>) semaphore(%arg22 : memref<!tpu.dma_semaphore, #tpu.memory_space<semaphore_mem>>)
    %add3A_106 = arith.constant 0 : i32
    %add3A_107 = arith.addi %add3A_91, %add3A_106 : i32
    %dma_start3A_108 = tpu.memref_slice %arg4[%add3A_107] : memref<320000xi32, #tpu.memory_space<hbm>> -> memref<128xi32, #tpu.memory_space<hbm>>
    %dma_start3A_109 = tpu.memref_slice %arg4[%add3A_107] : memref<320000xi32, #tpu.memory_space<hbm>> -> memref<128xi32, #tpu.memory_space<hbm>>
    tpu.enqueue_dma source(%dma_start3A_109 : memref<128xi32, #tpu.memory_space<hbm>>) target(%arg9 : memref<128xi32, #tpu.memory_space<vmem>>) target_semaphore(%arg28 : memref<!tpu.dma_semaphore, #tpu.memory_space<semaphore_mem>>)
    %add3A_110 = arith.constant 0 : i32
    %add3A_111 = arith.addi %add3A_91, %add3A_110 : i32
    %dma_start3A_112 = tpu.memref_slice %arg3[%add3A_111] : memref<320000xi32, #tpu.memory_space<hbm>> -> memref<128xi32, #tpu.memory_space<hbm>>
    %dma_start3A_113 = tpu.memref_slice %arg3[%add3A_111] : memref<320000xi32, #tpu.memory_space<hbm>> -> memref<128xi32, #tpu.memory_space<hbm>>
    tpu.enqueue_dma source(%dma_start3A_113 : memref<128xi32, #tpu.memory_space<hbm>>) target(%arg15 : memref<128xi32, #tpu.memory_space<vmem>>) target_semaphore(%arg31 : memref<!tpu.dma_semaphore, #tpu.memory_space<semaphore_mem>>)
    %dma_wait3A_114 = arith.constant 0 : i32
    %dma_wait3A_115 = arith.constant 0 : i32
    %dma_wait3A_116 = tpu.memref_slice %arg21[%dma_wait3A_114, %dma_wait3A_115] : memref<10000x128xf32, #tpu.memory_space<vmem_shared>> -> memref<10000x128xf32, #tpu.memory_space<vmem_shared>>
    tpu.wait_indirect_dma semaphore(%arg26 : memref<!tpu.dma_semaphore, #tpu.memory_space<semaphore_mem>>) src(%arg7 : memref<128x128xf32, #tpu.memory_space<vmem>>) dst(%dma_wait3A_116 : memref<10000x128xf32, #tpu.memory_space<vmem_shared>>)
    %add3A_117 = arith.constant 128 : i32
    %add3A_118 = arith.addi %add3A_89, %add3A_117 : i32
    %dma_wait3A_119 = tpu.memref_slice %arg4[%add3A_118] : memref<320000xi32, #tpu.memory_space<hbm>> -> memref<128xi32, #tpu.memory_space<hbm>>
    %dma_wait3A_120 = tpu.memref_slice %arg4[%add3A_118] : memref<320000xi32, #tpu.memory_space<hbm>> -> memref<128xi32, #tpu.memory_space<hbm>>
    tpu.wait_dma2 semaphore(%arg29 : memref<!tpu.dma_semaphore, #tpu.memory_space<semaphore_mem>>) src(%dma_wait3A_120 : memref<128xi32, #tpu.memory_space<hbm>>) dst(%arg13 : memref<128xi32, #tpu.memory_space<vmem>>)
    %add3A_121 = arith.constant 128 : i32
    %add3A_122 = arith.addi %add3A_89, %add3A_121 : i32
    %dma_wait3A_123 = tpu.memref_slice %arg3[%add3A_122] : memref<320000xi32, #tpu.memory_space<hbm>> -> memref<128xi32, #tpu.memory_space<hbm>>
    %dma_wait3A_124 = tpu.memref_slice %arg3[%add3A_122] : memref<320000xi32, #tpu.memory_space<hbm>> -> memref<128xi32, #tpu.memory_space<hbm>>
    tpu.wait_dma2 semaphore(%arg32 : memref<!tpu.dma_semaphore, #tpu.memory_space<semaphore_mem>>) src(%dma_wait3A_124 : memref<128xi32, #tpu.memory_space<hbm>>) dst(%arg19 : memref<128xi32, #tpu.memory_space<vmem>>)
    %dma_start3A_125 = arith.constant 0 : i32
    %dma_start3A_126 = arith.constant 0 : i32
    %dma_start3A_127 = tpu.memref_slice %arg2[%dma_start3A_125, %dma_start3A_126] : memref<10000x128xf32, #tpu.memory_space<hbm>> -> memref<10000x128xf32, #tpu.memory_space<hbm>>
    tpu.enqueue_indirect_dma source(%dma_start3A_127 : memref<10000x128xf32, #tpu.memory_space<hbm>>) target(%arg7 : memref<128x128xf32, #tpu.memory_space<vmem>>) offsets(%arg13 : memref<128xi32, #tpu.memory_space<vmem>>) semaphore(%arg23 : memref<!tpu.dma_semaphore, #tpu.memory_space<semaphore_mem>>)
    %add3A_128 = arith.constant 128 : i32
    %add3A_129 = arith.addi %add3A_91, %add3A_128 : i32
    %dma_start3A_130 = tpu.memref_slice %arg4[%add3A_129] : memref<320000xi32, #tpu.memory_space<hbm>> -> memref<128xi32, #tpu.memory_space<hbm>>
    %dma_start3A_131 = tpu.memref_slice %arg4[%add3A_129] : memref<320000xi32, #tpu.memory_space<hbm>> -> memref<128xi32, #tpu.memory_space<hbm>>
    tpu.enqueue_dma source(%dma_start3A_131 : memref<128xi32, #tpu.memory_space<hbm>>) target(%arg10 : memref<128xi32, #tpu.memory_space<vmem>>) target_semaphore(%arg29 : memref<!tpu.dma_semaphore, #tpu.memory_space<semaphore_mem>>)
    %add3A_132 = arith.constant 128 : i32
    %add3A_133 = arith.addi %add3A_91, %add3A_132 : i32
    %dma_start3A_134 = tpu.memref_slice %arg3[%add3A_133] : memref<320000xi32, #tpu.memory_space<hbm>> -> memref<128xi32, #tpu.memory_space<hbm>>
    %dma_start3A_135 = tpu.memref_slice %arg3[%add3A_133] : memref<320000xi32, #tpu.memory_space<hbm>> -> memref<128xi32, #tpu.memory_space<hbm>>
    tpu.enqueue_dma source(%dma_start3A_135 : memref<128xi32, #tpu.memory_space<hbm>>) target(%arg16 : memref<128xi32, #tpu.memory_space<vmem>>) target_semaphore(%arg32 : memref<!tpu.dma_semaphore, #tpu.memory_space<semaphore_mem>>)
    %dma_wait3A_136 = arith.constant 0 : i32
    %dma_wait3A_137 = arith.constant 0 : i32
    %dma_wait3A_138 = tpu.memref_slice %arg21[%dma_wait3A_136, %dma_wait3A_137] : memref<10000x128xf32, #tpu.memory_space<vmem_shared>> -> memref<10000x128xf32, #tpu.memory_space<vmem_shared>>
    tpu.wait_indirect_dma semaphore(%arg27 : memref<!tpu.dma_semaphore, #tpu.memory_space<semaphore_mem>>) src(%arg8 : memref<128x128xf32, #tpu.memory_space<vmem>>) dst(%dma_wait3A_138 : memref<10000x128xf32, #tpu.memory_space<vmem_shared>>)
    %add3A_139 = arith.constant 256 : i32
    %add3A_140 = arith.addi %add3A_89, %add3A_139 : i32
    %dma_wait3A_141 = tpu.memref_slice %arg4[%add3A_140] : memref<320000xi32, #tpu.memory_space<hbm>> -> memref<128xi32, #tpu.memory_space<hbm>>
    %dma_wait3A_142 = tpu.memref_slice %arg4[%add3A_140] : memref<320000xi32, #tpu.memory_space<hbm>> -> memref<128xi32, #tpu.memory_space<hbm>>
    tpu.wait_dma2 semaphore(%arg30 : memref<!tpu.dma_semaphore, #tpu.memory_space<semaphore_mem>>) src(%dma_wait3A_142 : memref<128xi32, #tpu.memory_space<hbm>>) dst(%arg14 : memref<128xi32, #tpu.memory_space<vmem>>)
    %add3A_143 = arith.constant 256 : i32
    %add3A_144 = arith.addi %add3A_89, %add3A_143 : i32
    %dma_wait3A_145 = tpu.memref_slice %arg3[%add3A_144] : memref<320000xi32, #tpu.memory_space<hbm>> -> memref<128xi32, #tpu.memory_space<hbm>>
    %dma_wait3A_146 = tpu.memref_slice %arg3[%add3A_144] : memref<320000xi32, #tpu.memory_space<hbm>> -> memref<128xi32, #tpu.memory_space<hbm>>
    tpu.wait_dma2 semaphore(%arg33 : memref<!tpu.dma_semaphore, #tpu.memory_space<semaphore_mem>>) src(%dma_wait3A_146 : memref<128xi32, #tpu.memory_space<hbm>>) dst(%arg20 : memref<128xi32, #tpu.memory_space<vmem>>)
    %dma_start3A_147 = arith.constant 0 : i32
    %dma_start3A_148 = arith.constant 0 : i32
    %dma_start3A_149 = tpu.memref_slice %arg2[%dma_start3A_147, %dma_start3A_148] : memref<10000x128xf32, #tpu.memory_space<hbm>> -> memref<10000x128xf32, #tpu.memory_space<hbm>>
    tpu.enqueue_indirect_dma source(%dma_start3A_149 : memref<10000x128xf32, #tpu.memory_space<hbm>>) target(%arg8 : memref<128x128xf32, #tpu.memory_space<vmem>>) offsets(%arg14 : memref<128xi32, #tpu.memory_space<vmem>>) semaphore(%arg24 : memref<!tpu.dma_semaphore, #tpu.memory_space<semaphore_mem>>)
    %add3A_150 = arith.constant 256 : i32
    %add3A_151 = arith.addi %add3A_91, %add3A_150 : i32
    %dma_start3A_152 = tpu.memref_slice %arg4[%add3A_151] : memref<320000xi32, #tpu.memory_space<hbm>> -> memref<128xi32, #tpu.memory_space<hbm>>
    %dma_start3A_153 = tpu.memref_slice %arg4[%add3A_151] : memref<320000xi32, #tpu.memory_space<hbm>> -> memref<128xi32, #tpu.memory_space<hbm>>
    tpu.enqueue_dma source(%dma_start3A_153 : memref<128xi32, #tpu.memory_space<hbm>>) target(%arg11 : memref<128xi32, #tpu.memory_space<vmem>>) target_semaphore(%arg30 : memref<!tpu.dma_semaphore, #tpu.memory_space<semaphore_mem>>)
    %add3A_154 = arith.constant 256 : i32
    %add3A_155 = arith.addi %add3A_91, %add3A_154 : i32
    %dma_start3A_156 = tpu.memref_slice %arg3[%add3A_155] : memref<320000xi32, #tpu.memory_space<hbm>> -> memref<128xi32, #tpu.memory_space<hbm>>
    %dma_start3A_157 = tpu.memref_slice %arg3[%add3A_155] : memref<320000xi32, #tpu.memory_space<hbm>> -> memref<128xi32, #tpu.memory_space<hbm>>
    tpu.enqueue_dma source(%dma_start3A_157 : memref<128xi32, #tpu.memory_space<hbm>>) target(%arg17 : memref<128xi32, #tpu.memory_space<vmem>>) target_semaphore(%arg33 : memref<!tpu.dma_semaphore, #tpu.memory_space<semaphore_mem>>)
    %dma_wait3A_158 = arith.constant 0 : i32
    %dma_wait3A_159 = arith.constant 0 : i32
    %dma_wait3A_160 = tpu.memref_slice %arg2[%dma_wait3A_158, %dma_wait3A_159] : memref<10000x128xf32, #tpu.memory_space<hbm>> -> memref<10000x128xf32, #tpu.memory_space<hbm>>
    tpu.wait_indirect_dma semaphore(%arg22 : memref<!tpu.dma_semaphore, #tpu.memory_space<semaphore_mem>>) src(%dma_wait3A_160 : memref<10000x128xf32, #tpu.memory_space<hbm>>) dst(%arg6 : memref<128x128xf32, #tpu.memory_space<vmem>>)
    %dma_start3A_161 = arith.constant 0 : i32
    %dma_start3A_162 = arith.constant 0 : i32
    %dma_start3A_163 = tpu.memref_slice %arg21[%dma_start3A_161, %dma_start3A_162] : memref<10000x128xf32, #tpu.memory_space<vmem_shared>> -> memref<10000x128xf32, #tpu.memory_space<vmem_shared>>
    tpu.enqueue_indirect_dma source(%arg6 : memref<128x128xf32, #tpu.memory_space<vmem>>) target(%dma_start3A_163 : memref<10000x128xf32, #tpu.memory_space<vmem_shared>>) offsets(%arg18 : memref<128xi32, #tpu.memory_space<vmem>>) semaphore(%arg25 : memref<!tpu.dma_semaphore, #tpu.memory_space<semaphore_mem>>) {add = true}
    %dma_wait3A_164 = arith.constant 0 : i32
    %dma_wait3A_165 = arith.constant 0 : i32
    %dma_wait3A_166 = tpu.memref_slice %arg2[%dma_wait3A_164, %dma_wait3A_165] : memref<10000x128xf32, #tpu.memory_space<hbm>> -> memref<10000x128xf32, #tpu.memory_space<hbm>>
    tpu.wait_indirect_dma semaphore(%arg23 : memref<!tpu.dma_semaphore, #tpu.memory_space<semaphore_mem>>) src(%dma_wait3A_166 : memref<10000x128xf32, #tpu.memory_space<hbm>>) dst(%arg7 : memref<128x128xf32, #tpu.memory_space<vmem>>)
    %dma_start3A_167 = arith.constant 0 : i32
    %dma_start3A_168 = arith.constant 0 : i32
    %dma_start3A_169 = tpu.memref_slice %arg21[%dma_start3A_167, %dma_start3A_168] : memref<10000x128xf32, #tpu.memory_space<vmem_shared>> -> memref<10000x128xf32, #tpu.memory_space<vmem_shared>>
    tpu.enqueue_indirect_dma source(%arg7 : memref<128x128xf32, #tpu.memory_space<vmem>>) target(%dma_start3A_169 : memref<10000x128xf32, #tpu.memory_space<vmem_shared>>) offsets(%arg19 : memref<128xi32, #tpu.memory_space<vmem>>) semaphore(%arg26 : memref<!tpu.dma_semaphore, #tpu.memory_space<semaphore_mem>>) {add = true}
    %dma_wait3A_170 = arith.constant 0 : i32
    %dma_wait3A_171 = arith.constant 0 : i32
    %dma_wait3A_172 = tpu.memref_slice %arg2[%dma_wait3A_170, %dma_wait3A_171] : memref<10000x128xf32, #tpu.memory_space<hbm>> -> memref<10000x128xf32, #tpu.memory_space<hbm>>
    tpu.wait_indirect_dma semaphore(%arg24 : memref<!tpu.dma_semaphore, #tpu.memory_space<semaphore_mem>>) src(%dma_wait3A_172 : memref<10000x128xf32, #tpu.memory_space<hbm>>) dst(%arg8 : memref<128x128xf32, #tpu.memory_space<vmem>>)
    %dma_start3A_173 = arith.constant 0 : i32
    %dma_start3A_174 = arith.constant 0 : i32
    %dma_start3A_175 = tpu.memref_slice %arg21[%dma_start3A_173, %dma_start3A_174] : memref<10000x128xf32, #tpu.memory_space<vmem_shared>> -> memref<10000x128xf32, #tpu.memory_space<vmem_shared>>
    tpu.enqueue_indirect_dma source(%arg8 : memref<128x128xf32, #tpu.memory_space<vmem>>) target(%dma_start3A_175 : memref<10000x128xf32, #tpu.memory_space<vmem_shared>>) offsets(%arg20 : memref<128xi32, #tpu.memory_space<vmem>>) semaphore(%arg27 : memref<!tpu.dma_semaphore, #tpu.memory_space<semaphore_mem>>) {add = true}
    %scan3A_176 = arith.constant 0 : i32
    %scan3A_177 = arith.constant 0 : i32
    %scan3A_178 = arith.constant 12 : i32
    %scan3A_179 = arith.addi %scan3A_177, %scan3A_178 : i32
    %scan3A_180 = arith.constant 1 : i32
    %scan3A_181 = scf.for %scan3A_233 = %scan3A_177 to %scan3A_179 step %scan3A_180 iter_args(%scan3A_234 = %scan3A_176) -> (i32)  : i32 {
      %mul3A_235 = arith.constant 2 : i32
      %mul3A_236 = arith.muli %mul3A_235, %scan3A_233 : i32
      %add3A_237 = arith.constant 2 : i32
      %add3A_238 = arith.addi %mul3A_236, %add3A_237 : i32
      %mul3A_239 = arith.constant 384 : i32
      %mul3A_240 = arith.muli %add3A_238, %mul3A_239 : i32
      %add3A_241 = arith.addi %mul3A_22, %mul3A_240 : i32
      %add3A_242 = arith.constant 384 : i32
      %add3A_243 = arith.addi %add3A_241, %add3A_242 : i32
      %dma_wait3A_244 = arith.constant 0 : i32
      %dma_wait3A_245 = arith.constant 0 : i32
      %dma_wait3A_246 = tpu.memref_slice %arg21[%dma_wait3A_244, %dma_wait3A_245] : memref<10000x128xf32, #tpu.memory_space<vmem_shared>> -> memref<10000x128xf32, #tpu.memory_space<vmem_shared>>
      tpu.wait_indirect_dma semaphore(%arg25 : memref<!tpu.dma_semaphore, #tpu.memory_space<semaphore_mem>>) src(%arg6 : memref<128x128xf32, #tpu.memory_space<vmem>>) dst(%dma_wait3A_246 : memref<10000x128xf32, #tpu.memory_space<vmem_shared>>)
      %add3A_247 = arith.constant 0 : i32
      %add3A_248 = arith.addi %add3A_241, %add3A_247 : i32
      %dma_wait3A_249 = tpu.memref_slice %arg4[%add3A_248] : memref<320000xi32, #tpu.memory_space<hbm>> -> memref<128xi32, #tpu.memory_space<hbm>>
      %dma_wait3A_250 = tpu.memref_slice %arg4[%add3A_248] : memref<320000xi32, #tpu.memory_space<hbm>> -> memref<128xi32, #tpu.memory_space<hbm>>
      tpu.wait_dma2 semaphore(%arg28 : memref<!tpu.dma_semaphore, #tpu.memory_space<semaphore_mem>>) src(%dma_wait3A_250 : memref<128xi32, #tpu.memory_space<hbm>>) dst(%arg9 : memref<128xi32, #tpu.memory_space<vmem>>)
      %add3A_251 = arith.constant 0 : i32
      %add3A_252 = arith.addi %add3A_241, %add3A_251 : i32
      %dma_wait3A_253 = tpu.memref_slice %arg3[%add3A_252] : memref<320000xi32, #tpu.memory_space<hbm>> -> memref<128xi32, #tpu.memory_space<hbm>>
      %dma_wait3A_254 = tpu.memref_slice %arg3[%add3A_252] : memref<320000xi32, #tpu.memory_space<hbm>> -> memref<128xi32, #tpu.memory_space<hbm>>
      tpu.wait_dma2 semaphore(%arg31 : memref<!tpu.dma_semaphore, #tpu.memory_space<semaphore_mem>>) src(%dma_wait3A_254 : memref<128xi32, #tpu.memory_space<hbm>>) dst(%arg15 : memref<128xi32, #tpu.memory_space<vmem>>)
      %dma_start3A_255 = arith.constant 0 : i32
      %dma_start3A_256 = arith.constant 0 : i32
      %dma_start3A_257 = tpu.memref_slice %arg2[%dma_start3A_255, %dma_start3A_256] : memref<10000x128xf32, #tpu.memory_space<hbm>> -> memref<10000x128xf32, #tpu.memory_space<hbm>>
      tpu.enqueue_indirect_dma source(%dma_start3A_257 : memref<10000x128xf32, #tpu.memory_space<hbm>>) target(%arg6 : memref<128x128xf32, #tpu.memory_space<vmem>>) offsets(%arg9 : memref<128xi32, #tpu.memory_space<vmem>>) semaphore(%arg22 : memref<!tpu.dma_semaphore, #tpu.memory_space<semaphore_mem>>)
      %add3A_258 = arith.constant 0 : i32
      %add3A_259 = arith.addi %add3A_243, %add3A_258 : i32
      %dma_start3A_260 = tpu.memref_slice %arg4[%add3A_259] : memref<320000xi32, #tpu.memory_space<hbm>> -> memref<128xi32, #tpu.memory_space<hbm>>
      %dma_start3A_261 = tpu.memref_slice %arg4[%add3A_259] : memref<320000xi32, #tpu.memory_space<hbm>> -> memref<128xi32, #tpu.memory_space<hbm>>
      tpu.enqueue_dma source(%dma_start3A_261 : memref<128xi32, #tpu.memory_space<hbm>>) target(%arg12 : memref<128xi32, #tpu.memory_space<vmem>>) target_semaphore(%arg28 : memref<!tpu.dma_semaphore, #tpu.memory_space<semaphore_mem>>)
      %add3A_262 = arith.constant 0 : i32
      %add3A_263 = arith.addi %add3A_243, %add3A_262 : i32
      %dma_start3A_264 = tpu.memref_slice %arg3[%add3A_263] : memref<320000xi32, #tpu.memory_space<hbm>> -> memref<128xi32, #tpu.memory_space<hbm>>
      %dma_start3A_265 = tpu.memref_slice %arg3[%add3A_263] : memref<320000xi32, #tpu.memory_space<hbm>> -> memref<128xi32, #tpu.memory_space<hbm>>
      tpu.enqueue_dma source(%dma_start3A_265 : memref<128xi32, #tpu.memory_space<hbm>>) target(%arg18 : memref<128xi32, #tpu.memory_space<vmem>>) target_semaphore(%arg31 : memref<!tpu.dma_semaphore, #tpu.memory_space<semaphore_mem>>)
      %dma_wait3A_266 = arith.constant 0 : i32
      %dma_wait3A_267 = arith.constant 0 : i32
      %dma_wait3A_268 = tpu.memref_slice %arg21[%dma_wait3A_266, %dma_wait3A_267] : memref<10000x128xf32, #tpu.memory_space<vmem_shared>> -> memref<10000x128xf32, #tpu.memory_space<vmem_shared>>
      tpu.wait_indirect_dma semaphore(%arg26 : memref<!tpu.dma_semaphore, #tpu.memory_space<semaphore_mem>>) src(%arg7 : memref<128x128xf32, #tpu.memory_space<vmem>>) dst(%dma_wait3A_268 : memref<10000x128xf32, #tpu.memory_space<vmem_shared>>)
      %add3A_269 = arith.constant 128 : i32
      %add3A_270 = arith.addi %add3A_241, %add3A_269 : i32
      %dma_wait3A_271 = tpu.memref_slice %arg4[%add3A_270] : memref<320000xi32, #tpu.memory_space<hbm>> -> memref<128xi32, #tpu.memory_space<hbm>>
      %dma_wait3A_272 = tpu.memref_slice %arg4[%add3A_270] : memref<320000xi32, #tpu.memory_space<hbm>> -> memref<128xi32, #tpu.memory_space<hbm>>
      tpu.wait_dma2 semaphore(%arg29 : memref<!tpu.dma_semaphore, #tpu.memory_space<semaphore_mem>>) src(%dma_wait3A_272 : memref<128xi32, #tpu.memory_space<hbm>>) dst(%arg10 : memref<128xi32, #tpu.memory_space<vmem>>)
      %add3A_273 = arith.constant 128 : i32
      %add3A_274 = arith.addi %add3A_241, %add3A_273 : i32
      %dma_wait3A_275 = tpu.memref_slice %arg3[%add3A_274] : memref<320000xi32, #tpu.memory_space<hbm>> -> memref<128xi32, #tpu.memory_space<hbm>>
      %dma_wait3A_276 = tpu.memref_slice %arg3[%add3A_274] : memref<320000xi32, #tpu.memory_space<hbm>> -> memref<128xi32, #tpu.memory_space<hbm>>
      tpu.wait_dma2 semaphore(%arg32 : memref<!tpu.dma_semaphore, #tpu.memory_space<semaphore_mem>>) src(%dma_wait3A_276 : memref<128xi32, #tpu.memory_space<hbm>>) dst(%arg16 : memref<128xi32, #tpu.memory_space<vmem>>)
      %dma_start3A_277 = arith.constant 0 : i32
      %dma_start3A_278 = arith.constant 0 : i32
      %dma_start3A_279 = tpu.memref_slice %arg2[%dma_start3A_277, %dma_start3A_278] : memref<10000x128xf32, #tpu.memory_space<hbm>> -> memref<10000x128xf32, #tpu.memory_space<hbm>>
      tpu.enqueue_indirect_dma source(%dma_start3A_279 : memref<10000x128xf32, #tpu.memory_space<hbm>>) target(%arg7 : memref<128x128xf32, #tpu.memory_space<vmem>>) offsets(%arg10 : memref<128xi32, #tpu.memory_space<vmem>>) semaphore(%arg23 : memref<!tpu.dma_semaphore, #tpu.memory_space<semaphore_mem>>)
      %add3A_280 = arith.constant 128 : i32
      %add3A_281 = arith.addi %add3A_243, %add3A_280 : i32
      %dma_start3A_282 = tpu.memref_slice %arg4[%add3A_281] : memref<320000xi32, #tpu.memory_space<hbm>> -> memref<128xi32, #tpu.memory_space<hbm>>
      %dma_start3A_283 = tpu.memref_slice %arg4[%add3A_281] : memref<320000xi32, #tpu.memory_space<hbm>> -> memref<128xi32, #tpu.memory_space<hbm>>
      tpu.enqueue_dma source(%dma_start3A_283 : memref<128xi32, #tpu.memory_space<hbm>>) target(%arg13 : memref<128xi32, #tpu.memory_space<vmem>>) target_semaphore(%arg29 : memref<!tpu.dma_semaphore, #tpu.memory_space<semaphore_mem>>)
      %add3A_284 = arith.constant 128 : i32
      %add3A_285 = arith.addi %add3A_243, %add3A_284 : i32
      %dma_start3A_286 = tpu.memref_slice %arg3[%add3A_285] : memref<320000xi32, #tpu.memory_space<hbm>> -> memref<128xi32, #tpu.memory_space<hbm>>
      %dma_start3A_287 = tpu.memref_slice %arg3[%add3A_285] : memref<320000xi32, #tpu.memory_space<hbm>> -> memref<128xi32, #tpu.memory_space<hbm>>
      tpu.enqueue_dma source(%dma_start3A_287 : memref<128xi32, #tpu.memory_space<hbm>>) target(%arg19 : memref<128xi32, #tpu.memory_space<vmem>>) target_semaphore(%arg32 : memref<!tpu.dma_semaphore, #tpu.memory_space<semaphore_mem>>)
      %dma_wait3A_288 = arith.constant 0 : i32
      %dma_wait3A_289 = arith.constant 0 : i32
      %dma_wait3A_290 = tpu.memref_slice %arg21[%dma_wait3A_288, %dma_wait3A_289] : memref<10000x128xf32, #tpu.memory_space<vmem_shared>> -> memref<10000x128xf32, #tpu.memory_space<vmem_shared>>
      tpu.wait_indirect_dma semaphore(%arg27 : memref<!tpu.dma_semaphore, #tpu.memory_space<semaphore_mem>>) src(%arg8 : memref<128x128xf32, #tpu.memory_space<vmem>>) dst(%dma_wait3A_290 : memref<10000x128xf32, #tpu.memory_space<vmem_shared>>)
      %add3A_291 = arith.constant 256 : i32
      %add3A_292 = arith.addi %add3A_241, %add3A_291 : i32
      %dma_wait3A_293 = tpu.memref_slice %arg4[%add3A_292] : memref<320000xi32, #tpu.memory_space<hbm>> -> memref<128xi32, #tpu.memory_space<hbm>>
      %dma_wait3A_294 = tpu.memref_slice %arg4[%add3A_292] : memref<320000xi32, #tpu.memory_space<hbm>> -> memref<128xi32, #tpu.memory_space<hbm>>
      tpu.wait_dma2 semaphore(%arg30 : memref<!tpu.dma_semaphore, #tpu.memory_space<semaphore_mem>>) src(%dma_wait3A_294 : memref<128xi32, #tpu.memory_space<hbm>>) dst(%arg11 : memref<128xi32, #tpu.memory_space<vmem>>)
      %add3A_295 = arith.constant 256 : i32
      %add3A_296 = arith.addi %add3A_241, %add3A_295 : i32
      %dma_wait3A_297 = tpu.memref_slice %arg3[%add3A_296] : memref<320000xi32, #tpu.memory_space<hbm>> -> memref<128xi32, #tpu.memory_space<hbm>>
      %dma_wait3A_298 = tpu.memref_slice %arg3[%add3A_296] : memref<320000xi32, #tpu.memory_space<hbm>> -> memref<128xi32, #tpu.memory_space<hbm>>
      tpu.wait_dma2 semaphore(%arg33 : memref<!tpu.dma_semaphore, #tpu.memory_space<semaphore_mem>>) src(%dma_wait3A_298 : memref<128xi32, #tpu.memory_space<hbm>>) dst(%arg17 : memref<128xi32, #tpu.memory_space<vmem>>)
      %dma_start3A_299 = arith.constant 0 : i32
      %dma_start3A_300 = arith.constant 0 : i32
      %dma_start3A_301 = tpu.memref_slice %arg2[%dma_start3A_299, %dma_start3A_300] : memref<10000x128xf32, #tpu.memory_space<hbm>> -> memref<10000x128xf32, #tpu.memory_space<hbm>>
      tpu.enqueue_indirect_dma source(%dma_start3A_301 : memref<10000x128xf32, #tpu.memory_space<hbm>>) target(%arg8 : memref<128x128xf32, #tpu.memory_space<vmem>>) offsets(%arg11 : memref<128xi32, #tpu.memory_space<vmem>>) semaphore(%arg24 : memref<!tpu.dma_semaphore, #tpu.memory_space<semaphore_mem>>)
      %add3A_302 = arith.constant 256 : i32
      %add3A_303 = arith.addi %add3A_243, %add3A_302 : i32
      %dma_start3A_304 = tpu.memref_slice %arg4[%add3A_303] : memref<320000xi32, #tpu.memory_space<hbm>> -> memref<128xi32, #tpu.memory_space<hbm>>
      %dma_start3A_305 = tpu.memref_slice %arg4[%add3A_303] : memref<320000xi32, #tpu.memory_space<hbm>> -> memref<128xi32, #tpu.memory_space<hbm>>
      tpu.enqueue_dma source(%dma_start3A_305 : memref<128xi32, #tpu.memory_space<hbm>>) target(%arg14 : memref<128xi32, #tpu.memory_space<vmem>>) target_semaphore(%arg30 : memref<!tpu.dma_semaphore, #tpu.memory_space<semaphore_mem>>)
      %add3A_306 = arith.constant 256 : i32
      %add3A_307 = arith.addi %add3A_243, %add3A_306 : i32
      %dma_start3A_308 = tpu.memref_slice %arg3[%add3A_307] : memref<320000xi32, #tpu.memory_space<hbm>> -> memref<128xi32, #tpu.memory_space<hbm>>
      %dma_start3A_309 = tpu.memref_slice %arg3[%add3A_307] : memref<320000xi32, #tpu.memory_space<hbm>> -> memref<128xi32, #tpu.memory_space<hbm>>
      tpu.enqueue_dma source(%dma_start3A_309 : memref<128xi32, #tpu.memory_space<hbm>>) target(%arg20 : memref<128xi32, #tpu.memory_space<vmem>>) target_semaphore(%arg33 : memref<!tpu.dma_semaphore, #tpu.memory_space<semaphore_mem>>)
      %dma_wait3A_310 = arith.constant 0 : i32
      %dma_wait3A_311 = arith.constant 0 : i32
      %dma_wait3A_312 = tpu.memref_slice %arg2[%dma_wait3A_310, %dma_wait3A_311] : memref<10000x128xf32, #tpu.memory_space<hbm>> -> memref<10000x128xf32, #tpu.memory_space<hbm>>
      tpu.wait_indirect_dma semaphore(%arg22 : memref<!tpu.dma_semaphore, #tpu.memory_space<semaphore_mem>>) src(%dma_wait3A_312 : memref<10000x128xf32, #tpu.memory_space<hbm>>) dst(%arg6 : memref<128x128xf32, #tpu.memory_space<vmem>>)
      %dma_start3A_313 = arith.constant 0 : i32
      %dma_start3A_314 = arith.constant 0 : i32
      %dma_start3A_315 = tpu.memref_slice %arg21[%dma_start3A_313, %dma_start3A_314] : memref<10000x128xf32, #tpu.memory_space<vmem_shared>> -> memref<10000x128xf32, #tpu.memory_space<vmem_shared>>
      tpu.enqueue_indirect_dma source(%arg6 : memref<128x128xf32, #tpu.memory_space<vmem>>) target(%dma_start3A_315 : memref<10000x128xf32, #tpu.memory_space<vmem_shared>>) offsets(%arg15 : memref<128xi32, #tpu.memory_space<vmem>>) semaphore(%arg25 : memref<!tpu.dma_semaphore, #tpu.memory_space<semaphore_mem>>) {add = true}
      %dma_wait3A_316 = arith.constant 0 : i32
      %dma_wait3A_317 = arith.constant 0 : i32
      %dma_wait3A_318 = tpu.memref_slice %arg2[%dma_wait3A_316, %dma_wait3A_317] : memref<10000x128xf32, #tpu.memory_space<hbm>> -> memref<10000x128xf32, #tpu.memory_space<hbm>>
      tpu.wait_indirect_dma semaphore(%arg23 : memref<!tpu.dma_semaphore, #tpu.memory_space<semaphore_mem>>) src(%dma_wait3A_318 : memref<10000x128xf32, #tpu.memory_space<hbm>>) dst(%arg7 : memref<128x128xf32, #tpu.memory_space<vmem>>)
      %dma_start3A_319 = arith.constant 0 : i32
      %dma_start3A_320 = arith.constant 0 : i32
      %dma_start3A_321 = tpu.memref_slice %arg21[%dma_start3A_319, %dma_start3A_320] : memref<10000x128xf32, #tpu.memory_space<vmem_shared>> -> memref<10000x128xf32, #tpu.memory_space<vmem_shared>>
      tpu.enqueue_indirect_dma source(%arg7 : memref<128x128xf32, #tpu.memory_space<vmem>>) target(%dma_start3A_321 : memref<10000x128xf32, #tpu.memory_space<vmem_shared>>) offsets(%arg16 : memref<128xi32, #tpu.memory_space<vmem>>) semaphore(%arg26 : memref<!tpu.dma_semaphore, #tpu.memory_space<semaphore_mem>>) {add = true}
      %dma_wait3A_322 = arith.constant 0 : i32
      %dma_wait3A_323 = arith.constant 0 : i32
      %dma_wait3A_324 = tpu.memref_slice %arg2[%dma_wait3A_322, %dma_wait3A_323] : memref<10000x128xf32, #tpu.memory_space<hbm>> -> memref<10000x128xf32, #tpu.memory_space<hbm>>
      tpu.wait_indirect_dma semaphore(%arg24 : memref<!tpu.dma_semaphore, #tpu.memory_space<semaphore_mem>>) src(%dma_wait3A_324 : memref<10000x128xf32, #tpu.memory_space<hbm>>) dst(%arg8 : memref<128x128xf32, #tpu.memory_space<vmem>>)
      %dma_start3A_325 = arith.constant 0 : i32
      %dma_start3A_326 = arith.constant 0 : i32
      %dma_start3A_327 = tpu.memref_slice %arg21[%dma_start3A_325, %dma_start3A_326] : memref<10000x128xf32, #tpu.memory_space<vmem_shared>> -> memref<10000x128xf32, #tpu.memory_space<vmem_shared>>
      tpu.enqueue_indirect_dma source(%arg8 : memref<128x128xf32, #tpu.memory_space<vmem>>) target(%dma_start3A_327 : memref<10000x128xf32, #tpu.memory_space<vmem_shared>>) offsets(%arg17 : memref<128xi32, #tpu.memory_space<vmem>>) semaphore(%arg27 : memref<!tpu.dma_semaphore, #tpu.memory_space<semaphore_mem>>) {add = true}
      %mul3A_328 = arith.constant 2 : i32
      %mul3A_329 = arith.muli %mul3A_328, %scan3A_233 : i32
      %add3A_330 = arith.constant 3 : i32
      %add3A_331 = arith.addi %mul3A_329, %add3A_330 : i32
      %mul3A_332 = arith.constant 384 : i32
      %mul3A_333 = arith.muli %add3A_331, %mul3A_332 : i32
      %add3A_334 = arith.addi %mul3A_22, %mul3A_333 : i32
      %add3A_335 = arith.constant 384 : i32
      %add3A_336 = arith.addi %add3A_334, %add3A_335 : i32
      %dma_wait3A_337 = arith.constant 0 : i32
      %dma_wait3A_338 = arith.constant 0 : i32
      %dma_wait3A_339 = tpu.memref_slice %arg21[%dma_wait3A_337, %dma_wait3A_338] : memref<10000x128xf32, #tpu.memory_space<vmem_shared>> -> memref<10000x128xf32, #tpu.memory_space<vmem_shared>>
      tpu.wait_indirect_dma semaphore(%arg25 : memref<!tpu.dma_semaphore, #tpu.memory_space<semaphore_mem>>) src(%arg6 : memref<128x128xf32, #tpu.memory_space<vmem>>) dst(%dma_wait3A_339 : memref<10000x128xf32, #tpu.memory_space<vmem_shared>>)
      %add3A_340 = arith.constant 0 : i32
      %add3A_341 = arith.addi %add3A_334, %add3A_340 : i32
      %dma_wait3A_342 = tpu.memref_slice %arg4[%add3A_341] : memref<320000xi32, #tpu.memory_space<hbm>> -> memref<128xi32, #tpu.memory_space<hbm>>
      %dma_wait3A_343 = tpu.memref_slice %arg4[%add3A_341] : memref<320000xi32, #tpu.memory_space<hbm>> -> memref<128xi32, #tpu.memory_space<hbm>>
      tpu.wait_dma2 semaphore(%arg28 : memref<!tpu.dma_semaphore, #tpu.memory_space<semaphore_mem>>) src(%dma_wait3A_343 : memref<128xi32, #tpu.memory_space<hbm>>) dst(%arg12 : memref<128xi32, #tpu.memory_space<vmem>>)
      %add3A_344 = arith.constant 0 : i32
      %add3A_345 = arith.addi %add3A_334, %add3A_344 : i32
      %dma_wait3A_346 = tpu.memref_slice %arg3[%add3A_345] : memref<320000xi32, #tpu.memory_space<hbm>> -> memref<128xi32, #tpu.memory_space<hbm>>
      %dma_wait3A_347 = tpu.memref_slice %arg3[%add3A_345] : memref<320000xi32, #tpu.memory_space<hbm>> -> memref<128xi32, #tpu.memory_space<hbm>>
      tpu.wait_dma2 semaphore(%arg31 : memref<!tpu.dma_semaphore, #tpu.memory_space<semaphore_mem>>) src(%dma_wait3A_347 : memref<128xi32, #tpu.memory_space<hbm>>) dst(%arg18 : memref<128xi32, #tpu.memory_space<vmem>>)
      %dma_start3A_348 = arith.constant 0 : i32
      %dma_start3A_349 = arith.constant 0 : i32
      %dma_start3A_350 = tpu.memref_slice %arg2[%dma_start3A_348, %dma_start3A_349] : memref<10000x128xf32, #tpu.memory_space<hbm>> -> memref<10000x128xf32, #tpu.memory_space<hbm>>
      tpu.enqueue_indirect_dma source(%dma_start3A_350 : memref<10000x128xf32, #tpu.memory_space<hbm>>) target(%arg6 : memref<128x128xf32, #tpu.memory_space<vmem>>) offsets(%arg12 : memref<128xi32, #tpu.memory_space<vmem>>) semaphore(%arg22 : memref<!tpu.dma_semaphore, #tpu.memory_space<semaphore_mem>>)
      %add3A_351 = arith.constant 0 : i32
      %add3A_352 = arith.addi %add3A_336, %add3A_351 : i32
      %dma_start3A_353 = tpu.memref_slice %arg4[%add3A_352] : memref<320000xi32, #tpu.memory_space<hbm>> -> memref<128xi32, #tpu.memory_space<hbm>>
      %dma_start3A_354 = tpu.memref_slice %arg4[%add3A_352] : memref<320000xi32, #tpu.memory_space<hbm>> -> memref<128xi32, #tpu.memory_space<hbm>>
      tpu.enqueue_dma source(%dma_start3A_354 : memref<128xi32, #tpu.memory_space<hbm>>) target(%arg9 : memref<128xi32, #tpu.memory_space<vmem>>) target_semaphore(%arg28 : memref<!tpu.dma_semaphore, #tpu.memory_space<semaphore_mem>>)
      %add3A_355 = arith.constant 0 : i32
      %add3A_356 = arith.addi %add3A_336, %add3A_355 : i32
      %dma_start3A_357 = tpu.memref_slice %arg3[%add3A_356] : memref<320000xi32, #tpu.memory_space<hbm>> -> memref<128xi32, #tpu.memory_space<hbm>>
      %dma_start3A_358 = tpu.memref_slice %arg3[%add3A_356] : memref<320000xi32, #tpu.memory_space<hbm>> -> memref<128xi32, #tpu.memory_space<hbm>>
      tpu.enqueue_dma source(%dma_start3A_358 : memref<128xi32, #tpu.memory_space<hbm>>) target(%arg15 : memref<128xi32, #tpu.memory_space<vmem>>) target_semaphore(%arg31 : memref<!tpu.dma_semaphore, #tpu.memory_space<semaphore_mem>>)
      %dma_wait3A_359 = arith.constant 0 : i32
      %dma_wait3A_360 = arith.constant 0 : i32
      %dma_wait3A_361 = tpu.memref_slice %arg21[%dma_wait3A_359, %dma_wait3A_360] : memref<10000x128xf32, #tpu.memory_space<vmem_shared>> -> memref<10000x128xf32, #tpu.memory_space<vmem_shared>>
      tpu.wait_indirect_dma semaphore(%arg26 : memref<!tpu.dma_semaphore, #tpu.memory_space<semaphore_mem>>) src(%arg7 : memref<128x128xf32, #tpu.memory_space<vmem>>) dst(%dma_wait3A_361 : memref<10000x128xf32, #tpu.memory_space<vmem_shared>>)
      %add3A_362 = arith.constant 128 : i32
      %add3A_363 = arith.addi %add3A_334, %add3A_362 : i32
      %dma_wait3A_364 = tpu.memref_slice %arg4[%add3A_363] : memref<320000xi32, #tpu.memory_space<hbm>> -> memref<128xi32, #tpu.memory_space<hbm>>
      %dma_wait3A_365 = tpu.memref_slice %arg4[%add3A_363] : memref<320000xi32, #tpu.memory_space<hbm>> -> memref<128xi32, #tpu.memory_space<hbm>>
      tpu.wait_dma2 semaphore(%arg29 : memref<!tpu.dma_semaphore, #tpu.memory_space<semaphore_mem>>) src(%dma_wait3A_365 : memref<128xi32, #tpu.memory_space<hbm>>) dst(%arg13 : memref<128xi32, #tpu.memory_space<vmem>>)
      %add3A_366 = arith.constant 128 : i32
      %add3A_367 = arith.addi %add3A_334, %add3A_366 : i32
      %dma_wait3A_368 = tpu.memref_slice %arg3[%add3A_367] : memref<320000xi32, #tpu.memory_space<hbm>> -> memref<128xi32, #tpu.memory_space<hbm>>
      %dma_wait3A_369 = tpu.memref_slice %arg3[%add3A_367] : memref<320000xi32, #tpu.memory_space<hbm>> -> memref<128xi32, #tpu.memory_space<hbm>>
      tpu.wait_dma2 semaphore(%arg32 : memref<!tpu.dma_semaphore, #tpu.memory_space<semaphore_mem>>) src(%dma_wait3A_369 : memref<128xi32, #tpu.memory_space<hbm>>) dst(%arg19 : memref<128xi32, #tpu.memory_space<vmem>>)
      %dma_start3A_370 = arith.constant 0 : i32
      %dma_start3A_371 = arith.constant 0 : i32
      %dma_start3A_372 = tpu.memref_slice %arg2[%dma_start3A_370, %dma_start3A_371] : memref<10000x128xf32, #tpu.memory_space<hbm>> -> memref<10000x128xf32, #tpu.memory_space<hbm>>
      tpu.enqueue_indirect_dma source(%dma_start3A_372 : memref<10000x128xf32, #tpu.memory_space<hbm>>) target(%arg7 : memref<128x128xf32, #tpu.memory_space<vmem>>) offsets(%arg13 : memref<128xi32, #tpu.memory_space<vmem>>) semaphore(%arg23 : memref<!tpu.dma_semaphore, #tpu.memory_space<semaphore_mem>>)
      %add3A_373 = arith.constant 128 : i32
      %add3A_374 = arith.addi %add3A_336, %add3A_373 : i32
      %dma_start3A_375 = tpu.memref_slice %arg4[%add3A_374] : memref<320000xi32, #tpu.memory_space<hbm>> -> memref<128xi32, #tpu.memory_space<hbm>>
      %dma_start3A_376 = tpu.memref_slice %arg4[%add3A_374] : memref<320000xi32, #tpu.memory_space<hbm>> -> memref<128xi32, #tpu.memory_space<hbm>>
      tpu.enqueue_dma source(%dma_start3A_376 : memref<128xi32, #tpu.memory_space<hbm>>) target(%arg10 : memref<128xi32, #tpu.memory_space<vmem>>) target_semaphore(%arg29 : memref<!tpu.dma_semaphore, #tpu.memory_space<semaphore_mem>>)
      %add3A_377 = arith.constant 128 : i32
      %add3A_378 = arith.addi %add3A_336, %add3A_377 : i32
      %dma_start3A_379 = tpu.memref_slice %arg3[%add3A_378] : memref<320000xi32, #tpu.memory_space<hbm>> -> memref<128xi32, #tpu.memory_space<hbm>>
      %dma_start3A_380 = tpu.memref_slice %arg3[%add3A_378] : memref<320000xi32, #tpu.memory_space<hbm>> -> memref<128xi32, #tpu.memory_space<hbm>>
      tpu.enqueue_dma source(%dma_start3A_380 : memref<128xi32, #tpu.memory_space<hbm>>) target(%arg16 : memref<128xi32, #tpu.memory_space<vmem>>) target_semaphore(%arg32 : memref<!tpu.dma_semaphore, #tpu.memory_space<semaphore_mem>>)
      %dma_wait3A_381 = arith.constant 0 : i32
      %dma_wait3A_382 = arith.constant 0 : i32
      %dma_wait3A_383 = tpu.memref_slice %arg21[%dma_wait3A_381, %dma_wait3A_382] : memref<10000x128xf32, #tpu.memory_space<vmem_shared>> -> memref<10000x128xf32, #tpu.memory_space<vmem_shared>>
      tpu.wait_indirect_dma semaphore(%arg27 : memref<!tpu.dma_semaphore, #tpu.memory_space<semaphore_mem>>) src(%arg8 : memref<128x128xf32, #tpu.memory_space<vmem>>) dst(%dma_wait3A_383 : memref<10000x128xf32, #tpu.memory_space<vmem_shared>>)
      %add3A_384 = arith.constant 256 : i32
      %add3A_385 = arith.addi %add3A_334, %add3A_384 : i32
      %dma_wait3A_386 = tpu.memref_slice %arg4[%add3A_385] : memref<320000xi32, #tpu.memory_space<hbm>> -> memref<128xi32, #tpu.memory_space<hbm>>
      %dma_wait3A_387 = tpu.memref_slice %arg4[%add3A_385] : memref<320000xi32, #tpu.memory_space<hbm>> -> memref<128xi32, #tpu.memory_space<hbm>>
      tpu.wait_dma2 semaphore(%arg30 : memref<!tpu.dma_semaphore, #tpu.memory_space<semaphore_mem>>) src(%dma_wait3A_387 : memref<128xi32, #tpu.memory_space<hbm>>) dst(%arg14 : memref<128xi32, #tpu.memory_space<vmem>>)
      %add3A_388 = arith.constant 256 : i32
      %add3A_389 = arith.addi %add3A_334, %add3A_388 : i32
      %dma_wait3A_390 = tpu.memref_slice %arg3[%add3A_389] : memref<320000xi32, #tpu.memory_space<hbm>> -> memref<128xi32, #tpu.memory_space<hbm>>
      %dma_wait3A_391 = tpu.memref_slice %arg3[%add3A_389] : memref<320000xi32, #tpu.memory_space<hbm>> -> memref<128xi32, #tpu.memory_space<hbm>>
      tpu.wait_dma2 semaphore(%arg33 : memref<!tpu.dma_semaphore, #tpu.memory_space<semaphore_mem>>) src(%dma_wait3A_391 : memref<128xi32, #tpu.memory_space<hbm>>) dst(%arg20 : memref<128xi32, #tpu.memory_space<vmem>>)
      %dma_start3A_392 = arith.constant 0 : i32
      %dma_start3A_393 = arith.constant 0 : i32
      %dma_start3A_394 = tpu.memref_slice %arg2[%dma_start3A_392, %dma_start3A_393] : memref<10000x128xf32, #tpu.memory_space<hbm>> -> memref<10000x128xf32, #tpu.memory_space<hbm>>
      tpu.enqueue_indirect_dma source(%dma_start3A_394 : memref<10000x128xf32, #tpu.memory_space<hbm>>) target(%arg8 : memref<128x128xf32, #tpu.memory_space<vmem>>) offsets(%arg14 : memref<128xi32, #tpu.memory_space<vmem>>) semaphore(%arg24 : memref<!tpu.dma_semaphore, #tpu.memory_space<semaphore_mem>>)
      %add3A_395 = arith.constant 256 : i32
      %add3A_396 = arith.addi %add3A_336, %add3A_395 : i32
      %dma_start3A_397 = tpu.memref_slice %arg4[%add3A_396] : memref<320000xi32, #tpu.memory_space<hbm>> -> memref<128xi32, #tpu.memory_space<hbm>>
      %dma_start3A_398 = tpu.memref_slice %arg4[%add3A_396] : memref<320000xi32, #tpu.memory_space<hbm>> -> memref<128xi32, #tpu.memory_space<hbm>>
      tpu.enqueue_dma source(%dma_start3A_398 : memref<128xi32, #tpu.memory_space<hbm>>) target(%arg11 : memref<128xi32, #tpu.memory_space<vmem>>) target_semaphore(%arg30 : memref<!tpu.dma_semaphore, #tpu.memory_space<semaphore_mem>>)
      %add3A_399 = arith.constant 256 : i32
      %add3A_400 = arith.addi %add3A_336, %add3A_399 : i32
      %dma_start3A_401 = tpu.memref_slice %arg3[%add3A_400] : memref<320000xi32, #tpu.memory_space<hbm>> -> memref<128xi32, #tpu.memory_space<hbm>>
      %dma_start3A_402 = tpu.memref_slice %arg3[%add3A_400] : memref<320000xi32, #tpu.memory_space<hbm>> -> memref<128xi32, #tpu.memory_space<hbm>>
      tpu.enqueue_dma source(%dma_start3A_402 : memref<128xi32, #tpu.memory_space<hbm>>) target(%arg17 : memref<128xi32, #tpu.memory_space<vmem>>) target_semaphore(%arg33 : memref<!tpu.dma_semaphore, #tpu.memory_space<semaphore_mem>>)
      %dma_wait3A_403 = arith.constant 0 : i32
      %dma_wait3A_404 = arith.constant 0 : i32
      %dma_wait3A_405 = tpu.memref_slice %arg2[%dma_wait3A_403, %dma_wait3A_404] : memref<10000x128xf32, #tpu.memory_space<hbm>> -> memref<10000x128xf32, #tpu.memory_space<hbm>>
      tpu.wait_indirect_dma semaphore(%arg22 : memref<!tpu.dma_semaphore, #tpu.memory_space<semaphore_mem>>) src(%dma_wait3A_405 : memref<10000x128xf32, #tpu.memory_space<hbm>>) dst(%arg6 : memref<128x128xf32, #tpu.memory_space<vmem>>)
      %dma_start3A_406 = arith.constant 0 : i32
      %dma_start3A_407 = arith.constant 0 : i32
      %dma_start3A_408 = tpu.memref_slice %arg21[%dma_start3A_406, %dma_start3A_407] : memref<10000x128xf32, #tpu.memory_space<vmem_shared>> -> memref<10000x128xf32, #tpu.memory_space<vmem_shared>>
      tpu.enqueue_indirect_dma source(%arg6 : memref<128x128xf32, #tpu.memory_space<vmem>>) target(%dma_start3A_408 : memref<10000x128xf32, #tpu.memory_space<vmem_shared>>) offsets(%arg18 : memref<128xi32, #tpu.memory_space<vmem>>) semaphore(%arg25 : memref<!tpu.dma_semaphore, #tpu.memory_space<semaphore_mem>>) {add = true}
      %dma_wait3A_409 = arith.constant 0 : i32
      %dma_wait3A_410 = arith.constant 0 : i32
      %dma_wait3A_411 = tpu.memref_slice %arg2[%dma_wait3A_409, %dma_wait3A_410] : memref<10000x128xf32, #tpu.memory_space<hbm>> -> memref<10000x128xf32, #tpu.memory_space<hbm>>
      tpu.wait_indirect_dma semaphore(%arg23 : memref<!tpu.dma_semaphore, #tpu.memory_space<semaphore_mem>>) src(%dma_wait3A_411 : memref<10000x128xf32, #tpu.memory_space<hbm>>) dst(%arg7 : memref<128x128xf32, #tpu.memory_space<vmem>>)
      %dma_start3A_412 = arith.constant 0 : i32
      %dma_start3A_413 = arith.constant 0 : i32
      %dma_start3A_414 = tpu.memref_slice %arg21[%dma_start3A_412, %dma_start3A_413] : memref<10000x128xf32, #tpu.memory_space<vmem_shared>> -> memref<10000x128xf32, #tpu.memory_space<vmem_shared>>
      tpu.enqueue_indirect_dma source(%arg7 : memref<128x128xf32, #tpu.memory_space<vmem>>) target(%dma_start3A_414 : memref<10000x128xf32, #tpu.memory_space<vmem_shared>>) offsets(%arg19 : memref<128xi32, #tpu.memory_space<vmem>>) semaphore(%arg26 : memref<!tpu.dma_semaphore, #tpu.memory_space<semaphore_mem>>) {add = true}
      %dma_wait3A_415 = arith.constant 0 : i32
      %dma_wait3A_416 = arith.constant 0 : i32
      %dma_wait3A_417 = tpu.memref_slice %arg2[%dma_wait3A_415, %dma_wait3A_416] : memref<10000x128xf32, #tpu.memory_space<hbm>> -> memref<10000x128xf32, #tpu.memory_space<hbm>>
      tpu.wait_indirect_dma semaphore(%arg24 : memref<!tpu.dma_semaphore, #tpu.memory_space<semaphore_mem>>) src(%dma_wait3A_417 : memref<10000x128xf32, #tpu.memory_space<hbm>>) dst(%arg8 : memref<128x128xf32, #tpu.memory_space<vmem>>)
      %dma_start3A_418 = arith.constant 0 : i32
      %dma_start3A_419 = arith.constant 0 : i32
      %dma_start3A_420 = tpu.memref_slice %arg21[%dma_start3A_418, %dma_start3A_419] : memref<10000x128xf32, #tpu.memory_space<vmem_shared>> -> memref<10000x128xf32, #tpu.memory_space<vmem_shared>>
      tpu.enqueue_indirect_dma source(%arg8 : memref<128x128xf32, #tpu.memory_space<vmem>>) target(%dma_start3A_420 : memref<10000x128xf32, #tpu.memory_space<vmem_shared>>) offsets(%arg20 : memref<128xi32, #tpu.memory_space<vmem>>) semaphore(%arg27 : memref<!tpu.dma_semaphore, #tpu.memory_space<semaphore_mem>>) {add = true}
      %scan3A_421 = arith.constant 0 : i32
      scf.yield %scan3A_421 : i32
    }
    %scan3A_182 = arith.constant 12 : i32
    %dma_wait3A_183 = arith.constant 0 : i32
    %dma_wait3A_184 = arith.constant 0 : i32
    %dma_wait3A_185 = tpu.memref_slice %arg21[%dma_wait3A_183, %dma_wait3A_184] : memref<10000x128xf32, #tpu.memory_space<vmem_shared>> -> memref<10000x128xf32, #tpu.memory_space<vmem_shared>>
    tpu.wait_indirect_dma semaphore(%arg25 : memref<!tpu.dma_semaphore, #tpu.memory_space<semaphore_mem>>) src(%arg6 : memref<128x128xf32, #tpu.memory_space<vmem>>) dst(%dma_wait3A_185 : memref<10000x128xf32, #tpu.memory_space<vmem_shared>>)
    %dma_wait3A_186 = arith.constant 0 : i32
    %dma_wait3A_187 = tpu.memref_slice %arg4[%dma_wait3A_186] : memref<320000xi32, #tpu.memory_space<hbm>> -> memref<128xi32, #tpu.memory_space<hbm>>
    %dma_wait3A_188 = arith.constant 0 : i32
    %dma_wait3A_189 = tpu.memref_slice %arg4[%dma_wait3A_188] : memref<320000xi32, #tpu.memory_space<hbm>> -> memref<128xi32, #tpu.memory_space<hbm>>
    tpu.wait_dma2 semaphore(%arg28 : memref<!tpu.dma_semaphore, #tpu.memory_space<semaphore_mem>>) src(%dma_wait3A_189 : memref<128xi32, #tpu.memory_space<hbm>>) dst(%arg9 : memref<128xi32, #tpu.memory_space<vmem>>)
    %dma_wait3A_190 = arith.constant 0 : i32
    %dma_wait3A_191 = tpu.memref_slice %arg3[%dma_wait3A_190] : memref<320000xi32, #tpu.memory_space<hbm>> -> memref<128xi32, #tpu.memory_space<hbm>>
    %dma_wait3A_192 = arith.constant 0 : i32
    %dma_wait3A_193 = tpu.memref_slice %arg3[%dma_wait3A_192] : memref<320000xi32, #tpu.memory_space<hbm>> -> memref<128xi32, #tpu.memory_space<hbm>>
    tpu.wait_dma2 semaphore(%arg31 : memref<!tpu.dma_semaphore, #tpu.memory_space<semaphore_mem>>) src(%dma_wait3A_193 : memref<128xi32, #tpu.memory_space<hbm>>) dst(%arg15 : memref<128xi32, #tpu.memory_space<vmem>>)
    %dma_wait3A_194 = arith.constant 0 : i32
    %dma_wait3A_195 = arith.constant 0 : i32
    %dma_wait3A_196 = tpu.memref_slice %arg21[%dma_wait3A_194, %dma_wait3A_195] : memref<10000x128xf32, #tpu.memory_space<vmem_shared>> -> memref<10000x128xf32, #tpu.memory_space<vmem_shared>>
    tpu.wait_indirect_dma semaphore(%arg26 : memref<!tpu.dma_semaphore, #tpu.memory_space<semaphore_mem>>) src(%arg7 : memref<128x128xf32, #tpu.memory_space<vmem>>) dst(%dma_wait3A_196 : memref<10000x128xf32, #tpu.memory_space<vmem_shared>>)
    %dma_wait3A_197 = arith.constant 0 : i32
    %dma_wait3A_198 = tpu.memref_slice %arg4[%dma_wait3A_197] : memref<320000xi32, #tpu.memory_space<hbm>> -> memref<128xi32, #tpu.memory_space<hbm>>
    %dma_wait3A_199 = arith.constant 0 : i32
    %dma_wait3A_200 = tpu.memref_slice %arg4[%dma_wait3A_199] : memref<320000xi32, #tpu.memory_space<hbm>> -> memref<128xi32, #tpu.memory_space<hbm>>
    tpu.wait_dma2 semaphore(%arg29 : memref<!tpu.dma_semaphore, #tpu.memory_space<semaphore_mem>>) src(%dma_wait3A_200 : memref<128xi32, #tpu.memory_space<hbm>>) dst(%arg10 : memref<128xi32, #tpu.memory_space<vmem>>)
    %dma_wait3A_201 = arith.constant 0 : i32
    %dma_wait3A_202 = tpu.memref_slice %arg3[%dma_wait3A_201] : memref<320000xi32, #tpu.memory_space<hbm>> -> memref<128xi32, #tpu.memory_space<hbm>>
    %dma_wait3A_203 = arith.constant 0 : i32
    %dma_wait3A_204 = tpu.memref_slice %arg3[%dma_wait3A_203] : memref<320000xi32, #tpu.memory_space<hbm>> -> memref<128xi32, #tpu.memory_space<hbm>>
    tpu.wait_dma2 semaphore(%arg32 : memref<!tpu.dma_semaphore, #tpu.memory_space<semaphore_mem>>) src(%dma_wait3A_204 : memref<128xi32, #tpu.memory_space<hbm>>) dst(%arg16 : memref<128xi32, #tpu.memory_space<vmem>>)
    %dma_wait3A_205 = arith.constant 0 : i32
    %dma_wait3A_206 = arith.constant 0 : i32
    %dma_wait3A_207 = tpu.memref_slice %arg21[%dma_wait3A_205, %dma_wait3A_206] : memref<10000x128xf32, #tpu.memory_space<vmem_shared>> -> memref<10000x128xf32, #tpu.memory_space<vmem_shared>>
    tpu.wait_indirect_dma semaphore(%arg27 : memref<!tpu.dma_semaphore, #tpu.memory_space<semaphore_mem>>) src(%arg8 : memref<128x128xf32, #tpu.memory_space<vmem>>) dst(%dma_wait3A_207 : memref<10000x128xf32, #tpu.memory_space<vmem_shared>>)
    %dma_wait3A_208 = arith.constant 0 : i32
    %dma_wait3A_209 = tpu.memref_slice %arg4[%dma_wait3A_208] : memref<320000xi32, #tpu.memory_space<hbm>> -> memref<128xi32, #tpu.memory_space<hbm>>
    %dma_wait3A_210 = arith.constant 0 : i32
    %dma_wait3A_211 = tpu.memref_slice %arg4[%dma_wait3A_210] : memref<320000xi32, #tpu.memory_space<hbm>> -> memref<128xi32, #tpu.memory_space<hbm>>
    tpu.wait_dma2 semaphore(%arg30 : memref<!tpu.dma_semaphore, #tpu.memory_space<semaphore_mem>>) src(%dma_wait3A_211 : memref<128xi32, #tpu.memory_space<hbm>>) dst(%arg11 : memref<128xi32, #tpu.memory_space<vmem>>)
    %dma_wait3A_212 = arith.constant 0 : i32
    %dma_wait3A_213 = tpu.memref_slice %arg3[%dma_wait3A_212] : memref<320000xi32, #tpu.memory_space<hbm>> -> memref<128xi32, #tpu.memory_space<hbm>>
    %dma_wait3A_214 = arith.constant 0 : i32
    %dma_wait3A_215 = tpu.memref_slice %arg3[%dma_wait3A_214] : memref<320000xi32, #tpu.memory_space<hbm>> -> memref<128xi32, #tpu.memory_space<hbm>>
    tpu.wait_dma2 semaphore(%arg33 : memref<!tpu.dma_semaphore, #tpu.memory_space<semaphore_mem>>) src(%dma_wait3A_215 : memref<128xi32, #tpu.memory_space<hbm>>) dst(%arg17 : memref<128xi32, #tpu.memory_space<vmem>>)
    %lt3A = arith.constant 4 : i32
    %lt3A_216 = arith.cmpi slt, %add3A, %lt3A : i32
    %convert_element_type3A_217 = arith.extui %lt3A_216 : i1 to i32
    %cond3A_218 = arith.constant 0 : i32
    %cond3A_219 = arith.cmpi ne, %convert_element_type3A_217, %cond3A_218 : i32
    scf.if %cond3A_219 {
      %mul3A_233 = arith.constant 128 : i32
      %mul3A_234 = arith.muli %add3A, %mul3A_233 : i32
      %add3A_235 = arith.constant 319488 : i32
      %add3A_236 = arith.addi %add3A_235, %mul3A_234 : i32
      "tpu.region"() ({
        %run_scoped3A = tpu.sem_alloc : memref<!tpu.dma_semaphore, #tpu.memory_space<semaphore_mem>>
        %dma_start3A_249 = tpu.memref_slice %arg4[%add3A_236] : memref<320000xi32, #tpu.memory_space<hbm>> -> memref<128xi32, #tpu.memory_space<hbm>>
        %dma_start3A_250 = tpu.memref_slice %arg4[%add3A_236] : memref<320000xi32, #tpu.memory_space<hbm>> -> memref<128xi32, #tpu.memory_space<hbm>>
        tpu.enqueue_dma source(%dma_start3A_250 : memref<128xi32, #tpu.memory_space<hbm>>) target(%arg9 : memref<128xi32, #tpu.memory_space<vmem>>) target_semaphore(%run_scoped3A : memref<!tpu.dma_semaphore, #tpu.memory_space<semaphore_mem>>)
        %dma_wait3A_251 = tpu.memref_slice %arg4[%add3A_236] : memref<320000xi32, #tpu.memory_space<hbm>> -> memref<128xi32, #tpu.memory_space<hbm>>
        %dma_wait3A_252 = tpu.memref_slice %arg4[%add3A_236] : memref<320000xi32, #tpu.memory_space<hbm>> -> memref<128xi32, #tpu.memory_space<hbm>>
        tpu.wait_dma2 semaphore(%run_scoped3A : memref<!tpu.dma_semaphore, #tpu.memory_space<semaphore_mem>>) src(%dma_wait3A_252 : memref<128xi32, #tpu.memory_space<hbm>>) dst(%arg9 : memref<128xi32, #tpu.memory_space<vmem>>)
        tpu.yield
      }) : () -> ()
      "tpu.region"() ({
        %run_scoped3A = tpu.sem_alloc : memref<!tpu.dma_semaphore, #tpu.memory_space<semaphore_mem>>
        %dma_start3A_249 = tpu.memref_slice %arg3[%add3A_236] : memref<320000xi32, #tpu.memory_space<hbm>> -> memref<128xi32, #tpu.memory_space<hbm>>
        %dma_start3A_250 = tpu.memref_slice %arg3[%add3A_236] : memref<320000xi32, #tpu.memory_space<hbm>> -> memref<128xi32, #tpu.memory_space<hbm>>
        tpu.enqueue_dma source(%dma_start3A_250 : memref<128xi32, #tpu.memory_space<hbm>>) target(%arg15 : memref<128xi32, #tpu.memory_space<vmem>>) target_semaphore(%run_scoped3A : memref<!tpu.dma_semaphore, #tpu.memory_space<semaphore_mem>>)
        %dma_wait3A_251 = tpu.memref_slice %arg3[%add3A_236] : memref<320000xi32, #tpu.memory_space<hbm>> -> memref<128xi32, #tpu.memory_space<hbm>>
        %dma_wait3A_252 = tpu.memref_slice %arg3[%add3A_236] : memref<320000xi32, #tpu.memory_space<hbm>> -> memref<128xi32, #tpu.memory_space<hbm>>
        tpu.wait_dma2 semaphore(%run_scoped3A : memref<!tpu.dma_semaphore, #tpu.memory_space<semaphore_mem>>) src(%dma_wait3A_252 : memref<128xi32, #tpu.memory_space<hbm>>) dst(%arg15 : memref<128xi32, #tpu.memory_space<vmem>>)
        tpu.yield
      }) : () -> ()
      %dma_start3A_237 = arith.constant 0 : i32
      %dma_start3A_238 = arith.constant 0 : i32
      %dma_start3A_239 = tpu.memref_slice %arg2[%dma_start3A_237, %dma_start3A_238] : memref<10000x128xf32, #tpu.memory_space<hbm>> -> memref<10000x128xf32, #tpu.memory_space<hbm>>
      tpu.enqueue_indirect_dma source(%dma_start3A_239 : memref<10000x128xf32, #tpu.memory_space<hbm>>) target(%arg6 : memref<128x128xf32, #tpu.memory_space<vmem>>) offsets(%arg9 : memref<128xi32, #tpu.memory_space<vmem>>) semaphore(%arg22 : memref<!tpu.dma_semaphore, #tpu.memory_space<semaphore_mem>>)
      %dma_wait3A_240 = arith.constant 0 : i32
      %dma_wait3A_241 = arith.constant 0 : i32
      %dma_wait3A_242 = tpu.memref_slice %arg2[%dma_wait3A_240, %dma_wait3A_241] : memref<10000x128xf32, #tpu.memory_space<hbm>> -> memref<10000x128xf32, #tpu.memory_space<hbm>>
      tpu.wait_indirect_dma semaphore(%arg22 : memref<!tpu.dma_semaphore, #tpu.memory_space<semaphore_mem>>) src(%dma_wait3A_242 : memref<10000x128xf32, #tpu.memory_space<hbm>>) dst(%arg6 : memref<128x128xf32, #tpu.memory_space<vmem>>)
      %dma_start3A_243 = arith.constant 0 : i32
      %dma_start3A_244 = arith.constant 0 : i32
      %dma_start3A_245 = tpu.memref_slice %arg21[%dma_start3A_243, %dma_start3A_244] : memref<10000x128xf32, #tpu.memory_space<vmem_shared>> -> memref<10000x128xf32, #tpu.memory_space<vmem_shared>>
      tpu.enqueue_indirect_dma source(%arg6 : memref<128x128xf32, #tpu.memory_space<vmem>>) target(%dma_start3A_245 : memref<10000x128xf32, #tpu.memory_space<vmem_shared>>) offsets(%arg15 : memref<128xi32, #tpu.memory_space<vmem>>) semaphore(%arg25 : memref<!tpu.dma_semaphore, #tpu.memory_space<semaphore_mem>>) {add = true}
      %dma_wait3A_246 = arith.constant 0 : i32
      %dma_wait3A_247 = arith.constant 0 : i32
      %dma_wait3A_248 = tpu.memref_slice %arg21[%dma_wait3A_246, %dma_wait3A_247] : memref<10000x128xf32, #tpu.memory_space<vmem_shared>> -> memref<10000x128xf32, #tpu.memory_space<vmem_shared>>
      tpu.wait_indirect_dma semaphore(%arg25 : memref<!tpu.dma_semaphore, #tpu.memory_space<semaphore_mem>>) src(%arg6 : memref<128x128xf32, #tpu.memory_space<vmem>>) dst(%dma_wait3A_248 : memref<10000x128xf32, #tpu.memory_space<vmem_shared>>)
    } else {
    }
    %barrier3A_220 = arith.constant 0 : index
    tpu.barrier barrier_id(%barrier3A_220)
    %mul3A_221 = arith.constant 624 : i32
    %mul3A_222 = arith.muli %arg1, %mul3A_221 : i32
    %mul3A_223 = arith.constant 10000 : i32
    %mul3A_224 = arith.muli %arg0, %mul3A_223 : i32
    %mul3A_225 = arith.constant 624 : i32
    %mul3A_226 = arith.muli %arg1, %mul3A_225 : i32
    %add3A_227 = arith.addi %mul3A_224, %mul3A_226 : i32
    "tpu.region"() ({
      %run_scoped3A = tpu.sem_alloc : memref<!tpu.dma_semaphore, #tpu.memory_space<semaphore_mem>>
      %dma_start3A_233 = arith.constant 0 : i32
      %dma_start3A_234 = tpu.memref_slice %arg5[%add3A_227, %dma_start3A_233] : memref<20000x128xf32, #tpu.memory_space<hbm>> -> memref<624x128xf32, #tpu.memory_space<hbm>>
      %dma_start3A_235 = arith.constant 0 : i32
      %dma_start3A_236 = tpu.memref_slice %arg21[%mul3A_222, %dma_start3A_235] : memref<10000x128xf32, #tpu.memory_space<vmem_shared>> -> memref<624x128xf32, #tpu.memory_space<vmem_shared>>
      tpu.enqueue_dma source(%dma_start3A_236 : memref<624x128xf32, #tpu.memory_space<vmem_shared>>) target(%dma_start3A_234 : memref<624x128xf32, #tpu.memory_space<hbm>>) target_semaphore(%run_scoped3A : memref<!tpu.dma_semaphore, #tpu.memory_space<semaphore_mem>>)
      %dma_wait3A_237 = arith.constant 0 : i32
      %dma_wait3A_238 = tpu.memref_slice %arg5[%add3A_227, %dma_wait3A_237] : memref<20000x128xf32, #tpu.memory_space<hbm>> -> memref<624x128xf32, #tpu.memory_space<hbm>>
      %dma_wait3A_239 = arith.constant 0 : i32
      %dma_wait3A_240 = tpu.memref_slice %arg21[%mul3A_222, %dma_wait3A_239] : memref<10000x128xf32, #tpu.memory_space<vmem_shared>> -> memref<624x128xf32, #tpu.memory_space<vmem_shared>>
      tpu.wait_dma2 semaphore(%run_scoped3A : memref<!tpu.dma_semaphore, #tpu.memory_space<semaphore_mem>>) src(%dma_wait3A_240 : memref<624x128xf32, #tpu.memory_space<vmem_shared>>) dst(%dma_wait3A_238 : memref<624x128xf32, #tpu.memory_space<hbm>>)
      tpu.yield
    }) : () -> ()
    %eq3A_228 = arith.constant 15 : i32
    %eq3A_229 = arith.cmpi eq, %arg1, %eq3A_228 : i32
    %convert_element_type3A_230 = arith.extui %eq3A_229 : i1 to i32
    %cond3A_231 = arith.constant 0 : i32
    %cond3A_232 = arith.cmpi ne, %convert_element_type3A_230, %cond3A_231 : i32
    scf.if %cond3A_232 {
      %mul3A_233 = arith.constant 10000 : i32
      %mul3A_234 = arith.muli %arg0, %mul3A_233 : i32
      %add3A_235 = arith.constant 9984 : i32
      %add3A_236 = arith.addi %mul3A_234, %add3A_235 : i32
      "tpu.region"() ({
        %run_scoped3A = tpu.sem_alloc : memref<!tpu.dma_semaphore, #tpu.memory_space<semaphore_mem>>
        %dma_start3A_237 = arith.constant 0 : i32
        %dma_start3A_238 = tpu.memref_slice %arg5[%add3A_236, %dma_start3A_237] : memref<20000x128xf32, #tpu.memory_space<hbm>> -> memref<16x128xf32, #tpu.memory_space<hbm>>
        %dma_start3A_239 = arith.constant 9984 : i32
        %dma_start3A_240 = arith.constant 0 : i32
        %dma_start3A_241 = tpu.memref_slice %arg21[%dma_start3A_239, %dma_start3A_240] : memref<10000x128xf32, #tpu.memory_space<vmem_shared>> -> memref<16x128xf32, #tpu.memory_space<vmem_shared>>
        tpu.enqueue_dma source(%dma_start3A_241 : memref<16x128xf32, #tpu.memory_space<vmem_shared>>) target(%dma_start3A_238 : memref<16x128xf32, #tpu.memory_space<hbm>>) target_semaphore(%run_scoped3A : memref<!tpu.dma_semaphore, #tpu.memory_space<semaphore_mem>>)
        %dma_wait3A_242 = arith.constant 0 : i32
        %dma_wait3A_243 = tpu.memref_slice %arg5[%add3A_236, %dma_wait3A_242] : memref<20000x128xf32, #tpu.memory_space<hbm>> -> memref<16x128xf32, #tpu.memory_space<hbm>>
        %dma_wait3A_244 = arith.constant 9984 : i32
        %dma_wait3A_245 = arith.constant 0 : i32
        %dma_wait3A_246 = tpu.memref_slice %arg21[%dma_wait3A_244, %dma_wait3A_245] : memref<10000x128xf32, #tpu.memory_space<vmem_shared>> -> memref<16x128xf32, #tpu.memory_space<vmem_shared>>
        tpu.wait_dma2 semaphore(%run_scoped3A : memref<!tpu.dma_semaphore, #tpu.memory_space<semaphore_mem>>) src(%dma_wait3A_246 : memref<16x128xf32, #tpu.memory_space<vmem_shared>>) dst(%dma_wait3A_243 : memref<16x128xf32, #tpu.memory_space<hbm>>)
        tpu.yield
      }) : () -> ()
    } else {
    }
    return
  }
}

module attributes {stable_mosaic.version = 14 : i64} {
  func.func @_ffn_body(%arg0: i32, %arg1: memref<400x128xf32, #tpu.memory_space<vmem>>, %arg2: memref<400x128xf32, #tpu.memory_space<vmem>>, %arg3: memref<400x128xf32, #tpu.memory_space<vmem>>, %arg4: memref<1x128xf32, #tpu.memory_space<vmem>>, %arg5: memref<1x128xf32, #tpu.memory_space<vmem>>, %arg6: memref<128x128xf32, #tpu.memory_space<vmem>>, %arg7: memref<1x128xf32, #tpu.memory_space<vmem>>, %arg8: memref<400x128xf32, #tpu.memory_space<vmem>>) attributes {dimension_semantics = [#tpu.dimension_semantics<arbitrary>], iteration_bounds = array<i64: 25>, scalar_prefetch = 0 : i64, scratch_operands = 0 : i64, tpu.core_type = #tpu.core_type<tc>, window_params = [{transform_indices = @transform_0, window_bounds = array<i64: 400, 128>}, {transform_indices = @transform_1, window_bounds = array<i64: 400, 128>}, {transform_indices = @transform_2, window_bounds = array<i64: 400, 128>}, {pipeline_mode = #tpu.pipeline_mode<synchronous>, transform_indices = @transform_3, window_bounds = array<i64: 1, 128>}, {pipeline_mode = #tpu.pipeline_mode<synchronous>, transform_indices = @transform_4, window_bounds = array<i64: 1, 128>}, {pipeline_mode = #tpu.pipeline_mode<synchronous>, transform_indices = @transform_5, window_bounds = array<i64: 128, 128>}, {pipeline_mode = #tpu.pipeline_mode<synchronous>, transform_indices = @transform_6, window_bounds = array<i64: 1, 128>}, {transform_indices = @transform_7, window_bounds = array<i64: 400, 128>}]} {
    %get3A = arith.constant 0 : index
    %get3A_0 = arith.constant 0 : index
    %get3A_1 = vector.load %arg1[%get3A, %get3A_0] : memref<400x128xf32, #tpu.memory_space<vmem>>, vector<400x128xf32>
    %get3A_2 = arith.constant 0 : index
    %get3A_3 = arith.constant 0 : index
    %get3A_4 = vector.load %arg2[%get3A_2, %get3A_3] : memref<400x128xf32, #tpu.memory_space<vmem>>, vector<400x128xf32>
    %add3A = arith.addf %get3A_1, %get3A_4 : vector<400x128xf32>
    %get3A_5 = arith.constant 0 : index
    %get3A_6 = arith.constant 0 : index
    %get3A_7 = vector.load %arg3[%get3A_5, %get3A_6] : memref<400x128xf32, #tpu.memory_space<vmem>>, vector<400x128xf32>
    %add3A_8 = arith.addf %add3A, %get3A_7 : vector<400x128xf32>
    %get3A_9 = arith.constant 0 : index
    %get3A_10 = arith.constant 0 : index
    %get3A_11 = vector.load %arg4[%get3A_9, %get3A_10] : memref<1x128xf32, #tpu.memory_space<vmem>>, vector<1x128xf32>
    %mul3A = vector.broadcast %get3A_11 : vector<1x128xf32> to vector<400x128xf32>
    %mul3A_12 = arith.mulf %add3A_8, %mul3A : vector<400x128xf32>
    %get3A_13 = arith.constant 0 : index
    %get3A_14 = arith.constant 0 : index
    %get3A_15 = vector.load %arg5[%get3A_13, %get3A_14] : memref<1x128xf32, #tpu.memory_space<vmem>>, vector<1x128xf32>
    %add3A_16 = vector.broadcast %get3A_15 : vector<1x128xf32> to vector<400x128xf32>
    %add3A_17 = arith.addf %mul3A_12, %add3A_16 : vector<400x128xf32>
    %get3A_18 = arith.constant 0 : index
    %get3A_19 = arith.constant 0 : index
    %get3A_20 = vector.load %arg6[%get3A_18, %get3A_19] : memref<128x128xf32, #tpu.memory_space<vmem>>, vector<128x128xf32>
    %dot_general3A = arith.constant dense<0.000000e+00> : vector<400x128xf32>
    %dot_general3A_21 = tpu.matmul %add3A_17, %get3A_20, %dot_general3A {dimension_numbers = #tpu.dot_dimension_numbers<[1], [0], [0], [1], [0, 0, 1, 1], [], []>, transpose_lhs_hint = false} : vector<400x128xf32>, vector<128x128xf32>, vector<400x128xf32> -> vector<400x128xf32>
    %get3A_22 = arith.constant 0 : index
    %get3A_23 = arith.constant 0 : index
    %get3A_24 = vector.load %arg7[%get3A_22, %get3A_23] : memref<1x128xf32, #tpu.memory_space<vmem>>, vector<1x128xf32>
    %add3A_25 = vector.broadcast %get3A_24 : vector<1x128xf32> to vector<400x128xf32>
    %add3A_26 = arith.addf %dot_general3A_21, %add3A_25 : vector<400x128xf32>
    %mul3A_27 = arith.constant 5.000000e-01 : f32
    %mul3A_28 = vector.broadcast %mul3A_27 : f32 to vector<400x128xf32>
    %mul3A_29 = arith.mulf %mul3A_28, %add3A_26 : vector<400x128xf32>
    %mul3A_30 = arith.constant 0.707106769 : f32
    %mul3A_31 = vector.broadcast %mul3A_30 : f32 to vector<400x128xf32>
    %mul3A_32 = arith.mulf %add3A_26, %mul3A_31 : vector<400x128xf32>
    %erf3A = math.erf %mul3A_32 : vector<400x128xf32>
    %add3A_33 = arith.constant 1.000000e+00 : f32
    %add3A_34 = vector.broadcast %add3A_33 : f32 to vector<400x128xf32>
    %add3A_35 = arith.addf %add3A_34, %erf3A : vector<400x128xf32>
    %mul3A_36 = arith.mulf %mul3A_29, %add3A_35 : vector<400x128xf32>
    %mul3A_37 = arith.mulf %mul3A_36, %mul3A_36 : vector<400x128xf32>
    %reduce_sum3A = arith.constant dense<0.000000e+00> : vector<400xf32>
    %reduce_sum3A_38 = vector.multi_reduction <add>, %mul3A_37, %reduce_sum3A [1] : vector<400x128xf32> to vector<400xf32>
    %broadcast_in_dim3A = vector.shape_cast %reduce_sum3A_38 : vector<400xf32> to vector<400x1xf32>
    %max3A = arith.constant 9.99999996E-13 : f32
    %max3A_39 = vector.broadcast %max3A : f32 to vector<400x1xf32>
    %max3A_40 = arith.maximumf %broadcast_in_dim3A, %max3A_39 : vector<400x1xf32>
    %rsqrt3A = math.rsqrt %max3A_40 : vector<400x1xf32>
    %mul3A_41 = vector.broadcast %rsqrt3A : vector<400x1xf32> to vector<400x128xf32>
    %mul3A_42 = arith.mulf %mul3A_36, %mul3A_41 : vector<400x128xf32>
    %swap3A = arith.constant 0 : index
    %swap3A_43 = arith.constant 0 : index
    %swap3A_44 = vector.load %arg8[%swap3A, %swap3A_43] : memref<400x128xf32, #tpu.memory_space<vmem>>, vector<400x128xf32>
    tpu.vector_store %arg8[%swap3A, %swap3A_43], %mul3A_42 {strides = array<i32>} : memref<400x128xf32, #tpu.memory_space<vmem>>, vector<400x128xf32>,
    return
  }
  func.func @transform_0(%arg0: i32) -> (i32, i32) {
    %c0_i32 = arith.constant 0 : i32
    %c0_i32_0 = arith.constant 0 : i32
    return %arg0, %c0_i32 : i32, i32
  }
  func.func @transform_1(%arg0: i32) -> (i32, i32) {
    %c0_i32 = arith.constant 0 : i32
    %c0_i32_0 = arith.constant 0 : i32
    return %arg0, %c0_i32 : i32, i32
  }
  func.func @transform_2(%arg0: i32) -> (i32, i32) {
    %add3A = arith.constant 25 : i32
    %add3A_0 = arith.addi %arg0, %add3A : i32
    %c0_i32 = arith.constant 0 : i32
    %c0_i32_1 = arith.constant 0 : i32
    return %add3A_0, %c0_i32 : i32, i32
  }
  func.func @transform_3(%arg0: i32) -> (i32, i32) {
    %c0_i32 = arith.constant 0 : i32
    %c0_i32_0 = arith.constant 0 : i32
    %c0_i32_1 = arith.constant 0 : i32
    return %c0_i32, %c0_i32_0 : i32, i32
  }
  func.func @transform_4(%arg0: i32) -> (i32, i32) {
    %c0_i32 = arith.constant 0 : i32
    %c0_i32_0 = arith.constant 0 : i32
    %c0_i32_1 = arith.constant 0 : i32
    return %c0_i32, %c0_i32_0 : i32, i32
  }
  func.func @transform_5(%arg0: i32) -> (i32, i32) {
    %c0_i32 = arith.constant 0 : i32
    %c0_i32_0 = arith.constant 0 : i32
    %c0_i32_1 = arith.constant 0 : i32
    return %c0_i32, %c0_i32_0 : i32, i32
  }
  func.func @transform_6(%arg0: i32) -> (i32, i32) {
    %c0_i32 = arith.constant 0 : i32
    %c0_i32_0 = arith.constant 0 : i32
    %c0_i32_1 = arith.constant 0 : i32
    return %c0_i32, %c0_i32_0 : i32, i32
  }
  func.func @transform_7(%arg0: i32) -> (i32, i32) {
    %c0_i32 = arith.constant 0 : i32
    %c0_i32_0 = arith.constant 0 : i32
    return %arg0, %c0_i32 : i32, i32
  }
}

</mosaic_0001>

<sc_bundles>
// kernel: kernel.4.cloned.1.call-start
scs
__scs_entry_jumppad:
0x0: {  	(pc) =	sbr.rel $0x88, $3  }
0x1: {  	(tag) =	ssettag $0x0;
	lr =	simm.s32 $0x1  }
0x2: {  	[smem:$0x3F99] =	sst lr;
	_ =	strace $0xD0000000  }
0x3: {  	_ = 	snop  }
0x4: {  	_ = 	snop  }
0x5: {  	_ = 	snop  }
0x6: {  	_ = 	snop  }
0x7: {  	_ = 	snop  }
__scs_overlays_trampoline_lowered:
0x8: {  	[smem:$0x3FA8] =	sst s0  }
0x9: {  	[smem:$0x3FA9] =	sst s1  }
0xa: {  	[smem:$0x3FAA] =	sst s2  }
0xb: {  	[smem:$0x3FAB] =	sst s3  }
0xc: {  	[smem:$0x3FAC] =	sst s4  }
0xd: {  	[smem:$0x3FAD] =	sst s5  }
0xe: {  	[smem:$0x3FAE] =	sst s6  }
0xf: {  	[smem:$0x3FAF] =	sst s7  }
0x10: {  	[smem:$0x3FB0] =	sst s8  }
0x11: {  	[smem:$0x3FB1] =	sst s9;
	s0 =	simm.s32 @!p0 $0x0  }
0x12: {  	s1 =	sld [smem:$0x3F97];
	s0 =	simm.s32 @p0 $0x1  }
0x13: {  	[smem:$0x3FB2] =	sst s0;
	s0 =	simm.s32 @!p1 $0x0  }
0x14: {  	s2 =	sld [smem:$0x3F96];
	s0 =	simm.s32 @p1 $0x1  }
0x15: {  	[smem:$0x3FB3] =	sst s0;
	s0 =	simm.s32 @!p2 $0x0  }
0x16: {  	s3 =	sld [smem:$0x3FDB];
	s0 =	simm.s32 @p2 $0x1  }
0x17: {  	s4 =	simm.s32 $0x1BF5;
	[smem:$0x3FB5] =	sst s0  }
0x18: {  	s0 =	sld [smem:$0x3F98];
	_ =	swait.ge [sflag:s4], $0x0  }
0x19: {  	s7 =	sld [smem:$0x3F99]  }
0x1a: {  	s8 =	sadd.s32 $0xFFFFE003, lr  }
0x1b: {  	s9 =	sadd.s32 $0xFFFFFEF7, lr;
	s5 =	simm.s32 $0xFFFFFFFF;
	p2 =	slt.u32 s8, $0xFFFFF086  }
0x1c: {  	p1 =	slt.u32 s9, $0xF7A;
	s5 =	simm.s32 @!p2 $0x0  }
0x1d: {  	s5 =	simm.s32 @p1 $0x1;
	p0 =	seq.s32 s7, s2  }
0x1e: {  	s7 =	smul.u32 @!p0 $0xF7A, s2;
	p2 =	seq.s32 @!p0 s5, $0x0  }
0x1f: {  	s9 =	smul.u32 $0xF7A, s1;
	s8 =	simm.s32 @!p0 $0x1BF5;
	p2 =	por !p2, p0  }
0x20: {  	[sflag:s8] =	ssyncset.s32 @!p0 $0xFFFFF086;
	s6 =	sadd.s32 @!p0 s3, s7;
	s7 =	simm.s32 @!p0 $0x108  }
0x21: {  	s3 =	sadd.s32 s3, s9;
	s6 =	sadd.s32 @!p0 $0x88, s6;
	s7 =	simm.s32 @p2 $0x1082  }
0x22: {  	[simem:s7], [sflag:s8] =	dma.local @!p0 [hbm:s6], $0xF7A  }
0x23: {  	s9 =	sor.u32 $0xD0000000, s2;
	s6 =	simm.s32 $0x108;
	_ =	swait.ge @!p0 [sflag:s8], $0x0  }
0x24: {  	s3 =	sadd.s32 $0x88, s3;
	s6 =	simm.s32 @!p1 $0x1082;
	[sflag:s4] =	ssyncset.s32 $0xFFFFF086  }
0x25: {  	[simem:s6], [sflag:s4] =	dma.local [hbm:s3], $0xF7A  }
0x26: {  	[smem:$0x3F99] =	sst s1;
	(tag) =	ssettag s2;
	_ =	strace s9  }
0x27: {  	s1 =	sld [smem:$0x3FA9]  }
0x28: {  	s2 =	sld [smem:$0x3FAA]  }
0x29: {  	s4 =	sld [smem:$0x3FAC]  }
0x2a: {  	p0 =	seq.s32 s5, $0x0;
	s5 =	sld [smem:$0x3FAD]  }
0x2b: {  	s6 =	sld [smem:$0x3FAE]  }
0x2c: {  	s7 =	sld [smem:$0x3FAF]  }
0x2d: {  	s3 =	simm.s32 $0x108;
	s8 =	sld [smem:$0x3FB0]  }
0x2e: {  	s3 =	simm.s32 @!p0 $0x1082;
	s9 =	sld [smem:$0x3FB1]  }
0x2f: {  	lr =	sadd.s32 s0, s3;
	s0 =	sld [smem:$0x3FA8]  }
0x30: {  	s3 =	sld [smem:$0x3FAB]  }
0x31: {  	[smem:$0x3FB4] =	sst s10  }
0x32: {  	s10 =	sld [smem:$0x3FB2];
	_ =	sdelay $0x3  }
0x33: {  	p0 =	seq.s32 s10, $0x1;
	s10 =	sld [smem:$0x3FB4];
	_ =	sdelay $0x3  }
0x34: {  	[smem:$0x3FB4] =	sst s10  }
0x35: {  	s10 =	sld [smem:$0x3FB3];
	_ =	sdelay $0x3  }
0x36: {  	p1 =	seq.s32 s10, $0x1;
	s10 =	sld [smem:$0x3FB4];
	_ =	sdelay $0x3  }
0x37: {  	[smem:$0x3FB4] =	sst s10  }
0x38: {  	s10 =	sld [smem:$0x3FB5]  }
0x39: {  	_ = 	snop;
	(pc) =	sbr.ind lr, $3  }
0x3a: {  	_ = 	snop  }
0x3b: {  	_ = 	snop  }
0x3c: {  	p2 =	seq.s32 s10, $0x1;
	s10 =	sld [smem:$0x3FB4]  }
0x3d: {  	_ =	shalt  }
0x3e: {  	_ =	shalt  }
0x3f: {  	_ =	shalt  }
0x40: {  	_ =	shalt  }
0x41: {  	_ =	shalt  }
0x42: {  	_ =	shalt  }
0x43: {  	_ =	shalt  }
0x44: {  	_ =	shalt  }
0x45: {  	_ =	shalt  }
0x46: {  	_ =	shalt  }
0x47: {  	_ =	shalt  }
0x48: {  	_ =	shalt  }
0x49: {  	_ =	shalt  }
0x4a: {  	_ =	shalt  }
0x4b: {  	_ =	shalt  }
0x4c: {  	_ =	shalt  }
0x4d: {  	_ =	shalt  }
0x4e: {  	_ =	shalt  }
0x4f: {  	_ =	shalt  }
0x50: {  	_ =	shalt  }
0x51: {  	_ =	shalt  }
0x52: {  	_ =	shalt  }
0x53: {  	_ =	shalt  }
0x54: {  	_ =	shalt  }
0x55: {  	_ =	shalt  }
0x56: {  	_ =	shalt  }
0x57: {  	_ =	shalt  }
0x58: {  	_ =	shalt  }
0x59: {  	_ =	shalt  }
0x5a: {  	_ =	shalt  }
0x5b: {  	_ =	shalt  }
0x5c: {  	_ =	shalt  }
0x5d: {  	_ =	shalt  }
0x5e: {  	_ =	shalt  }
0x5f: {  	_ =	shalt  }
0x60: {  	_ =	shalt  }
0x61: {  	_ =	shalt  }
0x62: {  	_ =	shalt  }
0x63: {  	_ =	shalt  }
0x64: {  	_ =	shalt  }
0x65: {  	_ =	shalt  }
0x66: {  	_ =	shalt  }
0x67: {  	_ =	shalt  }
0x68: {  	_ =	shalt  }
0x69: {  	_ =	shalt  }
0x6a: {  	_ =	shalt  }
0x6b: {  	_ =	shalt  }
0x6c: {  	_ =	shalt  }
0x6d: {  	_ =	shalt  }
0x6e: {  	_ =	shalt  }
0x6f: {  	_ =	shalt  }
0x70: {  	_ =	shalt  }
0x71: {  	_ =	shalt  }
0x72: {  	_ =	shalt  }
0x73: {  	_ =	shalt  }
0x74: {  	_ =	shalt  }
0x75: {  	_ =	shalt  }
0x76: {  	_ =	shalt  }
0x77: {  	_ =	shalt  }
0x78: {  	_ =	shalt  }
0x79: {  	_ =	shalt  }
0x7a: {  	_ =	shalt  }
0x7b: {  	_ =	shalt  }
0x7c: {  	_ =	shalt  }
0x7d: {  	_ =	shalt  }
0x7e: {  	_ =	shalt  }
0x7f: {  	_ =	shalt  }
0x80: {  	_ =	shalt  }
0x81: {  	_ =	shalt  }
0x82: {  	_ =	shalt  }
0x83: {  	_ =	shalt  }
0x84: {  	_ =	shalt  }
0x85: {  	_ =	shalt  }
0x86: {  	_ =	shalt  }
0x87: {  	_ =	shalt  }
.Lfunc_end0:
.L_simem_size_0:
called_computation_lowered:
.L_overlay_start_0:
0x88: {  	s2 =	sld [smem:$0x3FD9]  }
0x89: {  	s3 =	sld [smem:$0x3FFE];
	_ =	sdelay $0x1  }
0x8a: {  	s1 =	srdreg.scid  }
0x8b: {  	s0 =	sand.u32 $0x1, s1  }
0x8c: {  	s17 =	sshll.u32 s0, $0xA;
	s2 =	sadd.s32 s3, s2  }
0x8d: {  	s2 =	sadd.s32 s2, s17  }
0x8e: {  	[smem:$0x3FC0] =	sst s2  }
0x8f: {  	_ = 	snop  }
0x90: {  	s2 =	sld [smem:$0x3FC9]  }
0x91: {  	s18 =	sld [smem:$0x3FD0];
	(tm) =	ssettm $0x1  }
0x92: {  	s4 =	sld [smem:$0x3FFB];
	_ =	sdelay $0x3  }
0x93: {  	_ =	strace s4  }
0x94: {  	s4 =	sld [smem:$0x3FFC];
	_ =	sdelay $0x3  }
0x95: {  	_ =	strace s4  }
0x96: {  	s4 =	sld [smem:$0x3FFD];
	_ =	sdelay $0x3  }
0x97: {  	_ =	strace s4  }
0x98: {  	_ =	strace $0x8FFFFFFF  }
0x99: {  	s19 =	sld [smem:$0x3FDB];
	_ =	sdelay $0x1  }
0x9a: {  	s5 =	simm.s32 $_scs_section_size  }
0x9b: {  	s6 =	simm.s32 $_size__tile_overlayer_lowered;
	s7 =	simm.s32 $_tile_overlayer_lowered  }
0x9c: {  	s22 =	simm.s32 $0x1BFF;
	s21 =	sshll.u32 s7, $0x1;
	s4 =	sadd.s32 s5, s19  }
0x9d: {  	s8 =	simm.s32 $0x0;
	s20 =	sshll.u32 s6, $0x1;
	s6 =	sadd.s32 s21, s4  }
0x9e: {  	[timem:s8], [sflag:s22] =	dma.local [hbm:s6], s20  }
0x9f: {  	_ =	swait.ge [sflag:s22], s20  }
0xa0: {  	s5 =	ssub.s32 $0x0, s20;
	[sflag:s22] =	ssyncset.done $0x0  }
0xa1: {  	[sflag:s22] =	ssyncadd.s32 s5;
	_ =	sdelay $0x1  }
0xa2: {  	s23 =	simm.s32 $0x1B8B  }
0xa3: {  	_ =	swait.ge [sflag:s23], $0x1  }
0xa4: {  	[sflag:s23] =	ssyncset.done $0x0  }
0xa5: {  	s25 =	simm.s32 $0x1B8E;
	s24 =	sld [smem:$0x3FFE];
	[sflag:s23] =	ssyncadd.s32 $0xFFFFFFFF  }
0xa6: {  	s26 =	simm.s32 $execute0_lowered;
	[smem:$0x3FD2] =	sst s25  }
0xa7: {  	s6 =	sshll.u32 s26, $0x1;
	_ =	strace $0x80000046;
	[dreg:$0x1] =	wrdreg $0xFFFFFFFF  }
0xa8: {  	s28 =	simm.s32 $_size_execute0_lowered;
	s4 =	sadd.s32 s4, s6;
	[dreg:$0x0] =	wrdreg $0x0  }
0xa9: {  	s6 =	sshll.u32 s28, $0x1;
	[dreg:$0x2] =	wrdreg s4  }
0xaa: {  	[dreg:$0x3] =	wrdreg s6  }
0xab: {  	[dreg:$0x4] =	wrdreg $0xC0  }
0xac: {  	_ =	task [dreg:s8], $0x5FFFF  }
0xad: {  	[dreg:$0x1] =	wrdreg $0xFFFFFFFF  }
0xae: {  	[dreg:$0x0] =	wrdreg $0x60  }
0xaf: {  	[dreg:$0x2] =	wrdreg s2  }
0xb0: {  	[dreg:$0x3] =	wrdreg s24  }
0xb1: {  	[dreg:$0x4] =	wrdreg s18  }
0xb2: {  	[dreg:$0x5] =	wrdreg $0xC6000  }
0xb3: {  	[dreg:$0x6] =	wrdreg $0x9  }
0xb4: {  	_ =	task.clear_ibuf [dreg:s8], $0x7FFFF;
	_ =	strace $0x90000046  }
0xb5: {  	s29 =	simm.s32 $0x9;
	_ =	strace $0x80000048  }
0xb6: {  	_ =	swait.ge [sflag:s29], $0x1  }
0xb7: {  	[sflag:s29] =	ssyncadd.s32 $0xFFFFFFFF  }
0xb8: {  	_ =	strace $0x90000048  }
0xb9: {  	_ =	sfence  }
0xba: {  	s30 =	sld [smem:$0x0];
	_ =	sdelay $0x2  }
0xbb: {  	s31 =	sshll.u32 s1, $0xD;
	s1 =	sshrl.u32 s1, $0x2  }
0xbc: {  	s3 =	sand.u32 $0x4000, s31;
	s1 =	sadd.s32 s1, s30  }
0xbd: {  	s0 =	sor.u32 s3, s0;
	s1 =	sshll.u32 s1, $0x11  }
0xbe: {  	s0 =	sor.u32 s1, s0  }
0xbf: {  	s0 =	sadd.s32 $0x8F2B, s0  }
0xc0: {  	[sflag:s0] =	ssyncadd.remote.s32 $0x1  }
0xc1: {  	_ =	sfence.sel $0xFFFF  }
0xc2: {  	[dreg:$0x0] =	wrdreg $0xFFFFFFFF;
	(pc) =	sbr.abs _section_cstart, $3  }
0xc3: {  	[dreg:$0x1] =	wrdreg $0xFFFFFFFF  }
0xc4: {  	_ =	task.clear_ibuf [dreg:s8], $0x2FFFF;
	_ =	strace $0x9FFFFFFF  }
0xc5: {  	(tm) =	ssettm $0x7FFFFFFF  }
tec
execute0_lowered:
.L_overlay_start_1:
0x0: {  	(tag) =	ssettag $0x1  }
0x1: {  	s2 =	srdreg.scid  }
0x2: {  	s0 =	rddreg [dreg:$0x0];
	s5 =	sand.u32 $0x1, s2  }
0x3: {  	s6 =	rddreg [dreg:$0x1];
	s16 =	stileid.u32;
	s2 =	sshll.u32 s5, $0x4  }
0x4: {  	s1 =	rddreg [dreg:$0x2];
	s2 =	sor.u32 s16, s2  }
0x5: {  	s3 =	rddreg [dreg:$0x3];
	s4 =	simm.s32 $0x0;
	s9 =	smul.u32 $0x2700, s2  }
0x6: {  	[smem:$0x7FF] =	sst s4;
	s8 =	sadd.s32 $0x1400, s6  }
0x7: {  	s7 =	sadd.s32 $0xB200, s6;
	s10 =	ssub.s32 $0x2, s5;
	s9 =	sshrl.u32 s9, $0x3  }
0x8: {  	_ =	strace $0x80000047;
	s19 =	sshrl.u32 s10, $0x1;
	s11 =	sadd.s32 $0x30, s9  }
0x9: {  	s13 =	smul.u32 $0x27000, s5;
	s6 =	ssub.s32 s10, s19;
	s12 =	sadd.s32 s1, s11  }
0xa: {  	s20 =	sor.u32 $0x10, s9;
	s11 =	sadd.s32 s8, s11;
	[dreg:$0x11] =	wrdreg s12  }
0xb: {  	s22 =	sadd.s32 $0x40, s9;
	s21 =	sadd.s32 s1, s20;
	[dreg:$0x12] =	wrdreg s11  }
0xc: {  	s24 =	sadd.s32 $0x20, s9;
	s23 =	sadd.s32 s1, s22;
	[dreg:$0x13] =	wrdreg s21  }
0xd: {  	s10 =	smul.u32 $0x2700, s16;
	s14 =	sadd.s32 s1, s24;
	[dreg:$0x15] =	wrdreg s23  }
0xe: {  	s28 =	simm.s32 $0xA;
	s12 =	sadd.s32 s8, s20;
	[dreg:$0x17] =	wrdreg s14  }
0xf: {  	s11 =	sadd.s32 s8, s22;
	[dreg:$0x14] =	wrdreg s12;
	s12 =	sadd.s32 s10, s13  }
0x10: {  	[dreg:$0x16] =	wrdreg s11;
	s11 =	sadd.s32 s8, s24;
	s24 =	sadd.s32 $0x50, s9  }
0x11: {  	s13 =	sadd.s32 $0x700, s12;
	[dreg:$0x18] =	wrdreg s11;
	s21 =	sadd.s32 $0x580, s12  }
0x12: {  	s25 =	sshrl.u32 s13, $0x3;
	s23 =	sshrl.u32 s21, $0x3;
	s21 =	sadd.s32 s8, s24  }
0x13: {  	s15 =	sadd.s32 $0x680, s12;
	s26 =	sadd.s32 s25, s8;
	[dreg:$0x1a] =	wrdreg s21  }
0x14: {  	s31 =	sshrl.u32 s15, $0x3;
	s11 =	sadd.s32 s25, s1;
	[dreg:$0x5] =	wrdreg s26  }
0x15: {  	s17 =	sadd.s32 $0x600, s12;
	s15 =	sadd.s32 s31, s8;
	[dreg:$0x6] =	wrdreg s11  }
0x16: {  	s19 =	sshrl.u32 s17, $0x3;
	s18 =	sadd.s32 s31, s1;
	[dreg:$0x7] =	wrdreg s15  }
0x17: {  	s29 =	simm.s32 $0x5;
	s20 =	sadd.s32 s19, s8;
	[dreg:$0x8] =	wrdreg s18  }
0x18: {  	s30 =	simm.s32 $0xC;
	s22 =	sadd.s32 s19, s1;
	[dreg:$0x9] =	wrdreg s20  }
0x19: {  	p1 =	sne.s32 s16, $0xF;
	s25 =	sadd.s32 s23, s8;
	[dreg:$0xa] =	wrdreg s22  }
0x1a: {  	s14 =	sshll.u32 s16, $0x4;
	s31 =	sadd.s32 s1, s24;
	[dreg:$0xb] =	wrdreg s25  }
0x1b: {  	s13 =	smul.u32 $0x27100, s5;
	s17 =	sadd.s32 s23, s1;
	[dreg:$0x19] =	wrdreg s31  }
0x1c: {  	s19 =	sadd.s32 $0x60, s9;
	s24 =	sadd.s32 s1, s9;
	[dreg:$0xc] =	wrdreg s17  }
0x1d: {  	s26 =	sadd.s32 $0x500, s12;
	s22 =	sadd.s32 s1, s19;
	[dreg:$0x1d] =	wrdreg s24  }
0x1e: {  	s23 =	sadd.s32 s8, s19;
	s25 =	sadd.s32 $0x70, s9;
	[dreg:$0x1b] =	wrdreg s22  }
0x1f: {  	s11 =	sshrl.u32 s26, $0x3;
	[dreg:$0x1c] =	wrdreg s23;
	s26 =	sadd.s32 s8, s9  }
0x20: {  	s15 =	sor.u32 $0x9C00, s14;
	s31 =	sadd.s32 s1, s25;
	[dreg:$0x1e] =	wrdreg s26  }
0x21: {  	s10 =	sadd.s32 s10, s13;
	s17 =	sadd.s32 s1, s15;
	[dreg:$0x1f] =	wrdreg s31  }
0x22: {  	p0 =	sgt.u32 s2, $0x3;
	s19 =	sadd.s32 s7, s10;
	[smem:$0x7F4] =	sst s17  }
0x23: {  	s5 =	smul.u32 $0x138800, s5;
	s22 =	smax.u32 s6, $0x1;
	[smem:$0x7F5] =	sst s19  }
0x24: {  	s12 =	sadd.s32 $0x480, s12;
	s18 =	sadd.s32 s11, s8;
	[smem:$0x7F7] =	sst s22  }
0x25: {  	s12 =	sshrl.u32 s12, $0x3;
	s11 =	sadd.s32 s11, s1;
	[dreg:$0xd] =	wrdreg s18  }
0x26: {  	s9 =	sadd.s32 $0x80, s9;
	s20 =	sadd.s32 s12, s8;
	[dreg:$0xe] =	wrdreg s11  }
0x27: {  	s2 =	simm.s32 $0xB;
	s13 =	sadd.s32 s1, s9;
	[dreg:$0xf] =	wrdreg s20  }
0x28: {  	s5 =	sshrl.u32 s5, $0x3;
	s9 =	sadd.s32 s8, s9;
	[smem:$0x7F1] =	sst s13  }
0x29: {  	s5 =	sadd.s32 s7, s5;
	s1 =	sadd.s32 s12, s1;
	[smem:$0x7F2] =	sst s9  }
0x2a: {  	s14 =	simm.s32 $0x1;
	s21 =	sadd.s32 $0x27000, s5;
	[dreg:$0x10] =	wrdreg s1  }
0x2b: {  	s31 =	sadd.s32 $0x138000, s3;
	s18 =	smul.u32 $0x4E000, s16;
	[smem:$0x7F6] =	sst s21  }
0x2c: {  	s12 =	simm.s32 $0x4000;
	s11 =	sadd.s32 s8, s25;
	[smem:$0x7FC] =	sst s31  }
0x2d: {  	s8 =	sadd.s32 s8, s15;
	[smem:$0x7F0] =	sst s11;
	s20 =	sshrl.u32 s18, $0x2  }
0x2e: {  	s19 =	simm.s32 $0x8000;
	[smem:$0x7F3] =	sst s8;
	s10 =	sadd.s32 s20, s3  }
0x2f: {  	s22 =	simm.s32 $0x2;
	s23 =	sadd.s32 $0x4000, s10;
	[smem:$0x7FD] =	sst s10  }
0x30: {  	s5 =	simm.s32 $0x6;
	s24 =	sadd.s32 $0x8000, s10;
	[smem:$0x7F8] =	sst s23  }
0x31: {  	s9 =	simm.s32 $0x80;
	s25 =	sadd.s32 $0xC000, s10;
	[smem:$0x7F9] =	sst s24  }
0x32: {  	s1 =	simm.s32 $0x8;
	s26 =	sadd.s32 $0x10000, s10;
	[smem:$0x7FA] =	sst s25  }
0x33: {  	s8 =	simm.s32 $0x0;
	[smem:$0x7FB] =	sst s26;
	s23 =	simm.s32 $0x3  }
0x34: {  	v0 =	vimm.f32 $0.0e+00;
	s24 =	simm.s32 $0x4;
	s25 =	simm.s32 $0x7;
	s26 =	simm.s32 $0x9  }
.LBB2_1:
0x35: {  	[smem:$0x7EF] =	sst s8;
	s6 =	simm.s32 $0x0;
	s7 =	simm.s32 $0x200  }
.LBB2_2:
0x36: {  	p2 =	sne.s32 s7, $0xFE00;
	[tilespmem:s6+$0x70] =	vst v0  }
0x37: {  	[tilespmem:s6+$0x0] =	vst v0  }
0x38: {  	[tilespmem:s6+$0x10] =	vst v0  }
.Ltmp0:
0x39: {  	[tilespmem:s6+$0x20] =	vst v0;
	(pc) =	sbr.rel @p2 .LBB2_2-.Ltmp0, $4  }
0x3a: {  	[tilespmem:s6+$0x30] =	vst v0  }
0x3b: {  	[tilespmem:s6+$0x40] =	vst v0  }
0x3c: {  	[tilespmem:s6+$0x50] =	vst v0  }
0x3d: {  	[tilespmem:s6+$0x60] =	vst v0;
	s6 =	sshra.s32 s7, $0x2;
	s7 =	sadd.s32 $0x200, s7  }
0x3e: {  	[tilespmem:s6+$0x70] =	vst v0  }
0x3f: {  	[tilespmem:s6+$0x0] =	vst v0  }
0x40: {  	[tilespmem:s6+$0x10] =	vst v0  }
0x41: {  	[tilespmem:s6+$0x20] =	vst v0  }
0x42: {  	[tilespmem:s6+$0x30] =	vst v0  }
0x43: {  	[tilespmem:s6+$0x40] =	vst v0  }
0x44: {  	[tilespmem:s6+$0x50] =	vst v0  }
0x45: {  	[tilespmem:s6+$0x60] =	vst v0;
	s8 =	simm.s32 $0xD  }
0x46: {  	[spmem:s10] =	stream.linear.scatter [tilespmem:s4], [sflag:$0xD], $0x4000, $0x38;
	[tilespmem:$0x1FE80] =	vst v63  }
0x47: {  	_ =	swait.ge [sflag:s8], $0x4000  }
0x48: {  	s18 =	sld [smem:$0x7F8]  }
0x49: {  	[sflag:s8] =	ssyncset.done $0x0  }
0x4a: {  	[sflag:s8] =	ssyncadd.s32 $0xFFFFC000  }
0x4b: {  	[spmem:s18] =	stream.linear.scatter [tilespmem:s4], [sflag:$0xD], $0x4000, $0x38;
	[tilespmem:$0x1FE80] =	vst v63  }
0x4c: {  	_ =	swait.ge [sflag:s8], $0x4000  }
0x4d: {  	s20 =	sld [smem:$0x7F9]  }
0x4e: {  	[sflag:s8] =	ssyncset.done $0x0  }
0x4f: {  	[sflag:s8] =	ssyncadd.s32 $0xFFFFC000  }
0x50: {  	[spmem:s20] =	stream.linear.scatter [tilespmem:s4], [sflag:$0xD], $0x4000, $0x38;
	[tilespmem:$0x1FE80] =	vst v63  }
0x51: {  	_ =	swait.ge [sflag:s8], $0x4000  }
0x52: {  	s21 =	sld [smem:$0x7FA]  }
0x53: {  	[sflag:s8] =	ssyncset.done $0x0  }
0x54: {  	[sflag:s8] =	ssyncadd.s32 $0xFFFFC000  }
0x55: {  	[spmem:s21] =	stream.linear.scatter [tilespmem:s4], [sflag:$0xD], $0x4000, $0x38;
	[tilespmem:$0x1FE80] =	vst v63  }
0x56: {  	_ =	swait.ge [sflag:s8], $0x4000  }
0x57: {  	s7 =	sld [smem:$0x7FB]  }
0x58: {  	[sflag:s8] =	ssyncset.done $0x0  }
0x59: {  	[sflag:s8] =	ssyncadd.s32 $0xFFFFC000  }
0x5a: {  	[spmem:s7] =	stream.linear.scatter [tilespmem:s4], [sflag:$0xD], $0x3800, $0x38;
	[tilespmem:$0x1FE80] =	vst v63  }
0x5b: {  	_ =	swait.ge [sflag:s8], $0x3800  }
0x5c: {  	s7 =	sld [smem:$0x7FC]  }
0x5d: {  	[sflag:s8] =	ssyncset.done $0x0  }
0x5e: {  	s6 =	simm.s32 @!p1 $0x0;
	[sflag:s8] =	ssyncadd.s32 $0xFFFFC800  }
0x5f: {  	[spmem:s7] =	stream.linear.scatter @!p1 [tilespmem:s6], [sflag:$0xD], $0x800, $0x38;
	[tilespmem:$0x1FE80] =	vst v63  }
0x60: {  	s6 =	simm.s32 @!p1 $0xD  }
0x61: {  	_ =	swait.ge @!p1 [sflag:s6], $0x800  }
0x62: {  	[sflag:s6] =	ssyncset.done @!p1 $0x0  }
0x63: {  	[sflag:s6] =	ssyncadd.s32 @!p1 $0xFFFFF800  }
0x64: {  	[bflag:$0x0] =	sbarrier.arrive $0xFFFF  }
0x65: {  	s13 =	simm.s32 $0xC000;
	s6 =	simm.s32 $0x0;
	s10 =	rddreg [dreg:$0x1d]  }
0x66: {  	[tilespmem:s13], [sflag:$0xD] =	stream.linear.gather [hbm4b:s10+s6], $0x80, $0x38;
	[tilespmem:$0x1FE80] =	vst v63  }
0x67: {  	_ =	swait.ge [sflag:s8], $0x80  }
0x68: {  	[sflag:s8] =	ssyncset.done $0x0  }
0x69: {  	s15 =	simm.s32 $0xC300;
	s11 =	rddreg [dreg:$0x1e];
	[sflag:s8] =	ssyncadd.s32 $0xFFFFFF80  }
0x6a: {  	[tilespmem:s15], [sflag:$0xD] =	stream.linear.gather [hbm4b:s11+s6], $0x80, $0x38;
	[tilespmem:$0x1FE80] =	vst v63  }
0x6b: {  	_ =	swait.ge [sflag:s8], $0x80  }
0x6c: {  	[sflag:s8] =	ssyncset.done $0x0  }
0x6d: {  	[sflag:s8] =	ssyncadd.s32 $0xFFFFFF80  }
0x6e: {  	[tilespmem:s6], [sflag:$0x1] =	stream.indirect.gather [hbm4b:s0+s9], $0x80, s13, s9, $0xb8;
	[tilespmem:$0x1FE80] =	vst v63  }
0x6f: {  	s17 =	simm.s32 $0xC180;
	s16 =	rddreg [dreg:$0x11]  }
0x70: {  	[tilespmem:s17], [sflag:$0x7] =	stream.linear.gather [hbm4b:s16+s6], $0x80, $0x38;
	[tilespmem:$0x1FE80] =	vst v63  }
0x71: {  	s11 =	simm.s32 $0xC480;
	s18 =	rddreg [dreg:$0x12]  }
0x72: {  	[tilespmem:s11], [sflag:$0xA] =	stream.linear.gather [hbm4b:s18+s6], $0x80, $0x38;
	[tilespmem:$0x1FE80] =	vst v63  }
0x73: {  	s20 =	rddreg [dreg:$0x13];
	s18 =	simm.s32 $0xC080  }
0x74: {  	[tilespmem:s18], [sflag:$0xD] =	stream.linear.gather [hbm4b:s20+s6], $0x80, $0x38;
	[tilespmem:$0x1FE80] =	vst v63  }
0x75: {  	_ =	swait.ge [sflag:s8], $0x80  }
0x76: {  	[sflag:s8] =	ssyncset.done $0x0  }
0x77: {  	s20 =	simm.s32 $0xC380;
	s21 =	rddreg [dreg:$0x14];
	[sflag:s8] =	ssyncadd.s32 $0xFFFFFF80  }
0x78: {  	[tilespmem:s20], [sflag:$0xD] =	stream.linear.gather [hbm4b:s21+s6], $0x80, $0x38;
	[tilespmem:$0x1FE80] =	vst v63  }
0x79: {  	_ =	swait.ge [sflag:s8], $0x80  }
0x7a: {  	[sflag:s8] =	ssyncset.done $0x0  }
0x7b: {  	[sflag:s8] =	ssyncadd.s32 $0xFFFFFF80  }
0x7c: {  	[tilespmem:s12], [sflag:$0x2] =	stream.indirect.gather [hbm4b:s0+s9], $0x80, s18, s9, $0xb8;
	[tilespmem:$0x1FE80] =	vst v63  }
0x7d: {  	s21 =	simm.s32 $0xC200;
	s10 =	rddreg [dreg:$0x15]  }
0x7e: {  	[tilespmem:s21], [sflag:$0x8] =	stream.linear.gather [hbm4b:s10+s6], $0x80, $0x38;
	[tilespmem:$0x1FE80] =	vst v63  }
0x7f: {  	s16 =	simm.s32 $0xC500;
	s11 =	rddreg [dreg:$0x16]  }
0x80: {  	[tilespmem:s16], [sflag:$0xB] =	stream.linear.gather [hbm4b:s11+s6], $0x80, $0x38;
	[tilespmem:$0x1FE80] =	vst v63  }
0x81: {  	s10 =	rddreg [dreg:$0x17];
	s16 =	simm.s32 $0xC100  }
0x82: {  	[tilespmem:s16], [sflag:$0xD] =	stream.linear.gather [hbm4b:s10+s6], $0x80, $0x38;
	[tilespmem:$0x1FE80] =	vst v63  }
0x83: {  	_ =	swait.ge [sflag:s8], $0x80  }
0x84: {  	[sflag:s8] =	ssyncset.done $0x0  }
0x85: {  	s31 =	simm.s32 $0xC400;
	s11 =	rddreg [dreg:$0x18];
	[sflag:s8] =	ssyncadd.s32 $0xFFFFFF80  }
0x86: {  	[tilespmem:s31], [sflag:$0xD] =	stream.linear.gather [hbm4b:s11+s6], $0x80, $0x38;
	[tilespmem:$0x1FE80] =	vst v63  }
0x87: {  	_ =	swait.ge [sflag:s8], $0x80  }
0x88: {  	[sflag:s8] =	ssyncset.done $0x0  }
0x89: {  	[sflag:s8] =	ssyncadd.s32 $0xFFFFFF80  }
0x8a: {  	[tilespmem:s19], [sflag:$0x3] =	stream.indirect.gather [hbm4b:s0+s9], $0x80, s16, s9, $0xb8;
	[tilespmem:$0x1FE80] =	vst v63  }
0x8b: {  	s11 =	simm.s32 $0xC280;
	s10 =	rddreg [dreg:$0x19]  }
0x8c: {  	[tilespmem:s11], [sflag:$0x9] =	stream.linear.gather [hbm4b:s10+s6], $0x80, $0x38;
	[tilespmem:$0x1FE80] =	vst v63  }
0x8d: {  	s10 =	rddreg [dreg:$0x1a];
	s11 =	simm.s32 $0xC580  }
0x8e: {  	[tilespmem:s11], [sflag:$0xC] =	stream.linear.gather [hbm4b:s10+s6], $0x80, $0x38;
	[tilespmem:$0x1FE80] =	vst v63  }
0x8f: {  	_ =	swait.ge [sflag:s14], $0x4000  }
0x90: {  	[sflag:s14] =	ssyncset.done $0x0  }
0x91: {  	[sflag:s14] =	ssyncadd.s32 $0xFFFFC000  }
0x92: {  	[spmem:s3] =	stream.indirect.scatter.add.f32 [tilespmem:s6], [sflag:$0x4], $0x80, s15, s9, $0xb8;
	[tilespmem:$0x1FE80] =	vst v63  }
0x93: {  	_ =	swait.ge [sflag:s22], $0x4000  }
0x94: {  	[sflag:s22] =	ssyncset.done $0x0  }
0x95: {  	[sflag:s22] =	ssyncadd.s32 $0xFFFFC000  }
0x96: {  	[spmem:s3] =	stream.indirect.scatter.add.f32 [tilespmem:s12], [sflag:$0x5], $0x80, s20, s9, $0xb8;
	[tilespmem:$0x1FE80] =	vst v63  }
0x97: {  	_ =	swait.ge [sflag:s23], $0x4000  }
0x98: {  	[sflag:s23] =	ssyncset.done $0x0  }
0x99: {  	[sflag:s23] =	ssyncadd.s32 $0xFFFFC000  }
0x9a: {  	[spmem:s3] =	stream.indirect.scatter.add.f32 [tilespmem:s19], [sflag:$0x6], $0x80, s31, s9, $0xb8;
	[tilespmem:$0x1FE80] =	vst v63  }
0x9b: {  	_ =	swait.ge [sflag:s24], $0x4000  }
0x9c: {  	[sflag:s24] =	ssyncset.done $0x0  }
0x9d: {  	[sflag:s24] =	ssyncadd.s32 $0xFFFFC000  }
0x9e: {  	_ =	swait.ge [sflag:s25], $0x80  }
0x9f: {  	[sflag:s25] =	ssyncset.done $0x0  }
0xa0: {  	[sflag:s25] =	ssyncadd.s32 $0xFFFFFF80  }
0xa1: {  	_ =	swait.ge [sflag:s28], $0x80  }
0xa2: {  	[sflag:s28] =	ssyncset.done $0x0  }
0xa3: {  	[sflag:s28] =	ssyncadd.s32 $0xFFFFFF80  }
0xa4: {  	[tilespmem:s6], [sflag:$0x1] =	stream.indirect.gather [hbm4b:s0+s9], $0x80, s17, s9, $0xb8;
	[tilespmem:$0x1FE80] =	vst v63  }
0xa5: {  	s10 =	rddreg [dreg:$0x1b]  }
0xa6: {  	[tilespmem:s13], [sflag:$0x7] =	stream.linear.gather [hbm4b:s10+s6], $0x80, $0x38;
	[tilespmem:$0x1FE80] =	vst v63  }
0xa7: {  	s10 =	rddreg [dreg:$0x1c]  }
0xa8: {  	[tilespmem:s15], [sflag:$0xA] =	stream.linear.gather [hbm4b:s10+s6], $0x80, $0x38;
	[tilespmem:$0x1FE80] =	vst v63  }
0xa9: {  	_ =	swait.ge [sflag:s29], $0x4000  }
0xaa: {  	[sflag:s29] =	ssyncset.done $0x0  }
0xab: {  	[sflag:s29] =	ssyncadd.s32 $0xFFFFC000  }
0xac: {  	_ =	swait.ge [sflag:s1], $0x80  }
0xad: {  	[sflag:s1] =	ssyncset.done $0x0  }
0xae: {  	[sflag:s1] =	ssyncadd.s32 $0xFFFFFF80  }
0xaf: {  	_ =	swait.ge [sflag:s2], $0x80  }
0xb0: {  	[sflag:s2] =	ssyncset.done $0x0  }
0xb1: {  	[sflag:s2] =	ssyncadd.s32 $0xFFFFFF80  }
0xb2: {  	[tilespmem:s12], [sflag:$0x2] =	stream.indirect.gather [hbm4b:s0+s9], $0x80, s21, s9, $0xb8;
	[tilespmem:$0x1FE80] =	vst v63  }
0xb3: {  	s10 =	rddreg [dreg:$0x1f]  }
0xb4: {  	[tilespmem:s18], [sflag:$0x8] =	stream.linear.gather [hbm4b:s10+s6], $0x80, $0x38;
	[tilespmem:$0x1FE80] =	vst v63  }
0xb5: {  	s10 =	sld [smem:$0x7F0];
	_ =	sdelay $0x2  }
0xb6: {  	[tilespmem:s20], [sflag:$0xB] =	stream.linear.gather [hbm4b:s10+s6], $0x80, $0x38;
	[tilespmem:$0x1FE80] =	vst v63  }
0xb7: {  	_ =	swait.ge [sflag:s5], $0x4000  }
0xb8: {  	[sflag:s5] =	ssyncset.done $0x0  }
0xb9: {  	[sflag:s5] =	ssyncadd.s32 $0xFFFFC000  }
0xba: {  	_ =	swait.ge [sflag:s26], $0x80  }
0xbb: {  	[sflag:s26] =	ssyncset.done $0x0  }
0xbc: {  	[sflag:s26] =	ssyncadd.s32 $0xFFFFFF80  }
0xbd: {  	_ =	swait.ge [sflag:s30], $0x80  }
0xbe: {  	[sflag:s30] =	ssyncset.done $0x0  }
0xbf: {  	s8 =	simm.s32 $0xC280;
	[sflag:s30] =	ssyncadd.s32 $0xFFFFFF80  }
0xc0: {  	[tilespmem:s19], [sflag:$0x3] =	stream.indirect.gather [hbm4b:s0+s9], $0x80, s8, s9, $0xb8;
	[tilespmem:$0x1FE80] =	vst v63  }
0xc1: {  	s8 =	sld [smem:$0x7F1];
	_ =	sdelay $0x1  }
0xc2: {  	s10 =	sld [smem:$0x7F2]  }
0xc3: {  	[tilespmem:s16], [sflag:$0x9] =	stream.linear.gather [hbm4b:s8+s6], $0x80, $0x38;
	[tilespmem:$0x1FE80] =	vst v63  }
0xc4: {  	_ = 	snop  }
0xc5: {  	[tilespmem:s31], [sflag:$0xC] =	stream.linear.gather [hbm4b:s10+s6], $0x80, $0x38;
	[tilespmem:$0x1FE80] =	vst v63  }
0xc6: {  	_ =	swait.ge [sflag:s14], $0x4000  }
0xc7: {  	[sflag:s14] =	ssyncset.done $0x0  }
0xc8: {  	s8 =	simm.s32 $0xC480;
	[sflag:s14] =	ssyncadd.s32 $0xFFFFC000  }
0xc9: {  	[spmem:s3] =	stream.indirect.scatter.add.f32 [tilespmem:s6], [sflag:$0x4], $0x80, s8, s9, $0xb8;
	[tilespmem:$0x1FE80] =	vst v63  }
0xca: {  	_ =	swait.ge [sflag:s22], $0x4000  }
0xcb: {  	[sflag:s22] =	ssyncset.done $0x0  }
0xcc: {  	s10 =	simm.s32 $0xC500;
	[sflag:s22] =	ssyncadd.s32 $0xFFFFC000  }
0xcd: {  	[spmem:s3] =	stream.indirect.scatter.add.f32 [tilespmem:s12], [sflag:$0x5], $0x80, s10, s9, $0xb8;
	[tilespmem:$0x1FE80] =	vst v63  }
0xce: {  	_ =	swait.ge [sflag:s23], $0x4000  }
0xcf: {  	[sflag:s23] =	ssyncset.done $0x0  }
0xd0: {  	[sflag:s23] =	ssyncadd.s32 $0xFFFFC000  }
0xd1: {  	[spmem:s3] =	stream.indirect.scatter.add.f32 [tilespmem:s19], [sflag:$0x6], $0x80, s11, s9, $0xb8;
	[tilespmem:$0x1FE80] =	vst v63  }
0xd2: {  	_ =	swait.ge [sflag:s24], $0x4000  }
0xd3: {  	[sflag:s24] =	ssyncset.done $0x0  }
0xd4: {  	[sflag:s24] =	ssyncadd.s32 $0xFFFFC000  }
0xd5: {  	_ =	swait.ge [sflag:s25], $0x80  }
0xd6: {  	[sflag:s25] =	ssyncset.done $0x0  }
0xd7: {  	[sflag:s25] =	ssyncadd.s32 $0xFFFFFF80  }
0xd8: {  	_ =	swait.ge [sflag:s28], $0x80  }
0xd9: {  	[sflag:s28] =	ssyncset.done $0x0  }
0xda: {  	s6 =	rddreg [dreg:$0x10];
	[sflag:s28] =	ssyncadd.s32 $0xFFFFFF80  }
0xdb: {  	[tilespmem:s4], [sflag:$0x1] =	stream.indirect.gather [hbm4b:s0+s9], $0x80, s13, s9, $0xb8;
	[tilespmem:$0x1FE80] =	vst v63  }
0xdc: {  	s7 =	rddreg [dreg:$0xf];
	s6 =	sadd.s32 $0x0, s6  }
0xdd: {  	[tilespmem:s17], [sflag:$0x7] =	stream.linear.gather [hbm4b:s6+s4], $0x80, $0x38;
	[tilespmem:$0x1FE80] =	vst v63  }
0xde: {  	s7 =	sadd.s32 $0x0, s7  }
0xdf: {  	[tilespmem:s8], [sflag:$0xA] =	stream.linear.gather [hbm4b:s7+s4], $0x80, $0x38;
	[tilespmem:$0x1FE80] =	vst v63  }
0xe0: {  	_ =	swait.ge [sflag:s29], $0x4000  }
0xe1: {  	[sflag:s29] =	ssyncset.done $0x0  }
0xe2: {  	[sflag:s29] =	ssyncadd.s32 $0xFFFFC000  }
0xe3: {  	_ =	swait.ge [sflag:s1], $0x80  }
0xe4: {  	[sflag:s1] =	ssyncset.done $0x0  }
0xe5: {  	[sflag:s1] =	ssyncadd.s32 $0xFFFFFF80  }
0xe6: {  	_ =	swait.ge [sflag:s2], $0x80  }
0xe7: {  	[sflag:s2] =	ssyncset.done $0x0  }
0xe8: {  	s7 =	rddreg [dreg:$0xe];
	[sflag:s2] =	ssyncadd.s32 $0xFFFFFF80  }
0xe9: {  	[tilespmem:s12], [sflag:$0x2] =	stream.indirect.gather [hbm4b:s0+s9], $0x80, s18, s9, $0xb8;
	[tilespmem:$0x1FE80] =	vst v63  }
0xea: {  	s8 =	rddreg [dreg:$0xd];
	s6 =	sadd.s32 $0x0, s7  }
0xeb: {  	[tilespmem:s21], [sflag:$0x8] =	stream.linear.gather [hbm4b:s6+s4], $0x80, $0x38;
	[tilespmem:$0x1FE80] =	vst v63  }
0xec: {  	s8 =	sadd.s32 $0x0, s8  }
0xed: {  	[tilespmem:s10], [sflag:$0xB] =	stream.linear.gather [hbm4b:s8+s4], $0x80, $0x38;
	[tilespmem:$0x1FE80] =	vst v63  }
0xee: {  	_ =	swait.ge [sflag:s5], $0x4000  }
0xef: {  	[sflag:s5] =	ssyncset.done $0x0  }
0xf0: {  	[sflag:s5] =	ssyncadd.s32 $0xFFFFC000  }
0xf1: {  	_ =	swait.ge [sflag:s26], $0x80  }
0xf2: {  	[sflag:s26] =	ssyncset.done $0x0  }
0xf3: {  	[sflag:s26] =	ssyncadd.s32 $0xFFFFFF80  }
0xf4: {  	_ =	swait.ge [sflag:s30], $0x80  }
0xf5: {  	[sflag:s30] =	ssyncset.done $0x0  }
0xf6: {  	s10 =	rddreg [dreg:$0xc];
	[sflag:s30] =	ssyncadd.s32 $0xFFFFFF80  }
0xf7: {  	[tilespmem:s19], [sflag:$0x3] =	stream.indirect.gather [hbm4b:s0+s9], $0x80, s16, s9, $0xb8;
	[tilespmem:$0x1FE80] =	vst v63  }
0xf8: {  	s7 =	rddreg [dreg:$0xb];
	s6 =	sadd.s32 $0x0, s10;
	s10 =	simm.s32 $0xC280  }
0xf9: {  	[tilespmem:s10], [sflag:$0x9] =	stream.linear.gather [hbm4b:s6+s4], $0x80, $0x38;
	[tilespmem:$0x1FE80] =	vst v63  }
0xfa: {  	s7 =	sadd.s32 $0x0, s7  }
0xfb: {  	[tilespmem:s11], [sflag:$0xC] =	stream.linear.gather [hbm4b:s7+s4], $0x80, $0x38;
	[tilespmem:$0x1FE80] =	vst v63  }
0xfc: {  	_ =	swait.ge [sflag:s14], $0x4000  }
0xfd: {  	[sflag:s14] =	ssyncset.done $0x0  }
0xfe: {  	[sflag:s14] =	ssyncadd.s32 $0xFFFFC000  }
0xff: {  	[spmem:s3] =	stream.indirect.scatter.add.f32 [tilespmem:s4], [sflag:$0x4], $0x80, s15, s9, $0xb8;
	[tilespmem:$0x1FE80] =	vst v63  }
0x100: {  	_ =	swait.ge [sflag:s22], $0x4000  }
0x101: {  	[sflag:s22] =	ssyncset.done $0x0  }
0x102: {  	[sflag:s22] =	ssyncadd.s32 $0xFFFFC000  }
0x103: {  	[spmem:s3] =	stream.indirect.scatter.add.f32 [tilespmem:s12], [sflag:$0x5], $0x80, s20, s9, $0xb8;
	[tilespmem:$0x1FE80] =	vst v63  }
0x104: {  	_ =	swait.ge [sflag:s23], $0x4000  }
0x105: {  	[sflag:s23] =	ssyncset.done $0x0  }
0x106: {  	[sflag:s23] =	ssyncadd.s32 $0xFFFFC000  }
0x107: {  	[spmem:s3] =	stream.indirect.scatter.add.f32 [tilespmem:s19], [sflag:$0x6], $0x80, s31, s9, $0xb8;
	[tilespmem:$0x1FE80] =	vst v63  }
0x108: {  	_ =	swait.ge [sflag:s24], $0x4000  }
0x109: {  	[sflag:s24] =	ssyncset.done $0x0  }
0x10a: {  	[sflag:s24] =	ssyncadd.s32 $0xFFFFC000  }
0x10b: {  	_ =	swait.ge [sflag:s25], $0x80  }
0x10c: {  	[sflag:s25] =	ssyncset.done $0x0  }
0x10d: {  	[sflag:s25] =	ssyncadd.s32 $0xFFFFFF80  }
0x10e: {  	_ =	swait.ge [sflag:s28], $0x80  }
0x10f: {  	[sflag:s28] =	ssyncset.done $0x0  }
0x110: {  	s7 =	rddreg [dreg:$0xa];
	[sflag:s28] =	ssyncadd.s32 $0xFFFFFF80  }
0x111: {  	[tilespmem:s4], [sflag:$0x1] =	stream.indirect.gather [hbm4b:s0+s9], $0x80, s17, s9, $0xb8;
	[tilespmem:$0x1FE80] =	vst v63  }
0x112: {  	s11 =	rddreg [dreg:$0x9];
	s6 =	sadd.s32 $0x0, s7  }
0x113: {  	[tilespmem:s13], [sflag:$0x7] =	stream.linear.gather [hbm4b:s6+s4], $0x80, $0x38;
	[tilespmem:$0x1FE80] =	vst v63  }
0x114: {  	s13 =	sadd.s32 $0x0, s11  }
0x115: {  	[tilespmem:s15], [sflag:$0xA] =	stream.linear.gather [hbm4b:s13+s4], $0x80, $0x38;
	[tilespmem:$0x1FE80] =	vst v63  }
0x116: {  	_ =	swait.ge [sflag:s29], $0x4000  }
0x117: {  	[sflag:s29] =	ssyncset.done $0x0  }
0x118: {  	[sflag:s29] =	ssyncadd.s32 $0xFFFFC000  }
0x119: {  	_ =	swait.ge [sflag:s1], $0x80  }
0x11a: {  	[sflag:s1] =	ssyncset.done $0x0  }
0x11b: {  	[sflag:s1] =	ssyncadd.s32 $0xFFFFFF80  }
0x11c: {  	_ =	swait.ge [sflag:s2], $0x80  }
0x11d: {  	[sflag:s2] =	ssyncset.done $0x0  }
0x11e: {  	s15 =	rddreg [dreg:$0x8];
	[sflag:s2] =	ssyncadd.s32 $0xFFFFFF80  }
0x11f: {  	[tilespmem:s12], [sflag:$0x2] =	stream.indirect.gather [hbm4b:s0+s9], $0x80, s21, s9, $0xb8;
	[tilespmem:$0x1FE80] =	vst v63  }
0x120: {  	s17 =	rddreg [dreg:$0x7];
	s6 =	sadd.s32 $0x0, s15  }
0x121: {  	[tilespmem:s18], [sflag:$0x8] =	stream.linear.gather [hbm4b:s6+s4], $0x80, $0x38;
	[tilespmem:$0x1FE80] =	vst v63  }
0x122: {  	s18 =	sadd.s32 $0x0, s17  }
0x123: {  	[tilespmem:s20], [sflag:$0xB] =	stream.linear.gather [hbm4b:s18+s4], $0x80, $0x38;
	[tilespmem:$0x1FE80] =	vst v63  }
0x124: {  	_ =	swait.ge [sflag:s5], $0x4000  }
0x125: {  	[sflag:s5] =	ssyncset.done $0x0  }
0x126: {  	[sflag:s5] =	ssyncadd.s32 $0xFFFFC000  }
0x127: {  	_ =	swait.ge [sflag:s26], $0x80  }
0x128: {  	[sflag:s26] =	ssyncset.done $0x0  }
0x129: {  	[sflag:s26] =	ssyncadd.s32 $0xFFFFFF80  }
0x12a: {  	_ =	swait.ge [sflag:s30], $0x80  }
0x12b: {  	[sflag:s30] =	ssyncset.done $0x0  }
0x12c: {  	s10 =	simm.s32 $0xC280;
	s21 =	rddreg [dreg:$0x6];
	[sflag:s30] =	ssyncadd.s32 $0xFFFFFF80  }
0x12d: {  	[tilespmem:s19], [sflag:$0x3] =	stream.indirect.gather [hbm4b:s0+s9], $0x80, s10, s9, $0xb8;
	[tilespmem:$0x1FE80] =	vst v63  }
0x12e: {  	s24 =	rddreg [dreg:$0x5];
	s6 =	sadd.s32 $0x0, s21  }
0x12f: {  	[tilespmem:s16], [sflag:$0x9] =	stream.linear.gather [hbm4b:s6+s4], $0x80, $0x38;
	[tilespmem:$0x1FE80] =	vst v63  }
0x130: {  	s25 =	sadd.s32 $0x0, s24  }
0x131: {  	[tilespmem:s31], [sflag:$0xC] =	stream.linear.gather [hbm4b:s25+s4], $0x80, $0x38;
	[tilespmem:$0x1FE80] =	vst v63  }
0x132: {  	_ =	swait.ge [sflag:s14], $0x4000  }
0x133: {  	s8 =	simm.s32 $0xC500;
	[sflag:s14] =	ssyncset.done $0x0  }
0x134: {  	s28 =	simm.s32 $0x4;
	s26 =	simm.s32 $0xC480;
	[sflag:s14] =	ssyncadd.s32 $0xFFFFC000  }
0x135: {  	[spmem:s3] =	stream.indirect.scatter.add.f32 [tilespmem:s4], [sflag:$0x4], $0x80, s26, s9, $0xb8;
	[tilespmem:$0x1FE80] =	vst v63  }
0x136: {  	s29 =	simm.s32 $0x7;
	s1 =	simm.s32 $0x8;
	_ =	swait.ge [sflag:s22], $0x4000  }
0x137: {  	s2 =	simm.s32 $0xB;
	s18 =	simm.s32 $0xC;
	[sflag:s22] =	ssyncset.done $0x0  }
0x138: {  	s5 =	simm.s32 $0x6;
	s30 =	simm.s32 $0xA;
	[sflag:s22] =	ssyncadd.s32 $0xFFFFC000  }
0x139: {  	[spmem:s3] =	stream.indirect.scatter.add.f32 [tilespmem:s12], [sflag:$0x5], $0x80, s8, s9, $0xb8;
	[tilespmem:$0x1FE80] =	vst v63  }
0x13a: {  	s24 =	simm.s32 $0x2;
	s6 =	simm.s32 $0x60;
	_ =	swait.ge [sflag:s23], $0x4000  }
0x13b: {  	s31 =	simm.s32 $0x5;
	s25 =	simm.s32 $0x3;
	[sflag:s23] =	ssyncset.done $0x0  }
0x13c: {  	s26 =	simm.s32 $0x9;
	[sflag:s23] =	ssyncadd.s32 $0xFFFFC000;
	s23 =	simm.s32 $0x1  }
.LBB2_4:
0x13d: {  	s16 =	simm.s32 $0xC580  }
0x13e: {  	[spmem:s3] =	stream.indirect.scatter.add.f32 [tilespmem:s19], [sflag:$0x6], $0x80, s16, s9, $0xb8;
	[tilespmem:$0x1FE80] =	vst v63  }
0x13f: {  	_ =	swait.ge [sflag:s28], $0x4000  }
0x140: {  	[sflag:s28] =	ssyncset.done $0x0  }
0x141: {  	[sflag:s28] =	ssyncadd.s32 $0xFFFFC000  }
0x142: {  	_ =	swait.ge [sflag:s29], $0x80  }
0x143: {  	[sflag:s29] =	ssyncset.done $0x0  }
0x144: {  	[sflag:s29] =	ssyncadd.s32 $0xFFFFFF80  }
0x145: {  	_ =	swait.ge [sflag:s30], $0x80  }
0x146: {  	s7 =	smov.u32 s6;
	[sflag:s30] =	ssyncset.done $0x0  }
0x147: {  	s15 =	simm.s32 $0xC000;
	s8 =	rddreg [dreg:$0x10];
	[sflag:s30] =	ssyncadd.s32 $0xFFFFFF80  }
0x148: {  	[tilespmem:s4], [sflag:$0x1] =	stream.indirect.gather [hbm4b:s0+s9], $0x80, s15, s9, $0xb8;
	[tilespmem:$0x1FE80] =	vst v63  }
0x149: {  	s17 =	simm.s32 $0xC180;
	s10 =	rddreg [dreg:$0xf];
	s8 =	sadd.s32 s7, s8  }
0x14a: {  	[tilespmem:s17], [sflag:$0x7] =	stream.linear.gather [hbm4b:s8+s4], $0x80, $0x38;
	[tilespmem:$0x1FE80] =	vst v63  }
0x14b: {  	s13 =	simm.s32 $0xC480;
	s11 =	sadd.s32 s7, s10  }
0x14c: {  	[tilespmem:s13], [sflag:$0xA] =	stream.linear.gather [hbm4b:s11+s4], $0x80, $0x38;
	[tilespmem:$0x1FE80] =	vst v63  }
0x14d: {  	_ =	swait.ge [sflag:s31], $0x4000  }
0x14e: {  	[sflag:s31] =	ssyncset.done $0x0  }
0x14f: {  	[sflag:s31] =	ssyncadd.s32 $0xFFFFC000  }
0x150: {  	_ =	swait.ge [sflag:s1], $0x80  }
0x151: {  	[sflag:s1] =	ssyncset.done $0x0  }
0x152: {  	[sflag:s1] =	ssyncadd.s32 $0xFFFFFF80  }
0x153: {  	_ =	swait.ge [sflag:s2], $0x80  }
0x154: {  	[sflag:s2] =	ssyncset.done $0x0  }
0x155: {  	s20 =	simm.s32 $0xC080;
	s14 =	rddreg [dreg:$0xe];
	[sflag:s2] =	ssyncadd.s32 $0xFFFFFF80  }
0x156: {  	[tilespmem:s12], [sflag:$0x2] =	stream.indirect.gather [hbm4b:s0+s9], $0x80, s20, s9, $0xb8;
	[tilespmem:$0x1FE80] =	vst v63  }
0x157: {  	s13 =	simm.s32 $0xC200;
	s19 =	rddreg [dreg:$0xd];
	s8 =	sadd.s32 s7, s14  }
0x158: {  	[tilespmem:s13], [sflag:$0x8] =	stream.linear.gather [hbm4b:s8+s4], $0x80, $0x38;
	[tilespmem:$0x1FE80] =	vst v63  }
0x159: {  	s22 =	simm.s32 $0xC500;
	s21 =	sadd.s32 s7, s19  }
0x15a: {  	[tilespmem:s22], [sflag:$0xB] =	stream.linear.gather [hbm4b:s21+s4], $0x80, $0x38;
	[tilespmem:$0x1FE80] =	vst v63  }
0x15b: {  	_ =	swait.ge [sflag:s5], $0x4000  }
0x15c: {  	[sflag:s5] =	ssyncset.done $0x0  }
0x15d: {  	[sflag:s5] =	ssyncadd.s32 $0xFFFFC000  }
0x15e: {  	_ =	swait.ge [sflag:s26], $0x80  }
0x15f: {  	[sflag:s26] =	ssyncset.done $0x0  }
0x160: {  	[sflag:s26] =	ssyncadd.s32 $0xFFFFFF80  }
0x161: {  	_ =	swait.ge [sflag:s18], $0x80  }
0x162: {  	s12 =	simm.s32 $0xC100;
	[sflag:s18] =	ssyncset.done $0x0  }
0x163: {  	s22 =	simm.s32 $0x8000;
	s11 =	rddreg [dreg:$0xc];
	[sflag:s18] =	ssyncadd.s32 $0xFFFFFF80  }
0x164: {  	[tilespmem:s22], [sflag:$0x3] =	stream.indirect.gather [hbm4b:s0+s9], $0x80, s12, s9, $0xb8;
	[tilespmem:$0x1FE80] =	vst v63  }
0x165: {  	s14 =	rddreg [dreg:$0xb];
	s8 =	sadd.s32 s7, s11;
	s11 =	simm.s32 $0xC280  }
0x166: {  	[tilespmem:s11], [sflag:$0x9] =	stream.linear.gather [hbm4b:s8+s4], $0x80, $0x38;
	[tilespmem:$0x1FE80] =	vst v63  }
0x167: {  	s21 =	sadd.s32 s7, s14  }
0x168: {  	[tilespmem:s16], [sflag:$0xC] =	stream.linear.gather [hbm4b:s21+s4], $0x80, $0x38;
	[tilespmem:$0x1FE80] =	vst v63  }
0x169: {  	_ =	swait.ge [sflag:s23], $0x4000  }
0x16a: {  	[sflag:s23] =	ssyncset.done $0x0  }
0x16b: {  	s16 =	simm.s32 $0xC300;
	[sflag:s23] =	ssyncadd.s32 $0xFFFFC000  }
0x16c: {  	[spmem:s3] =	stream.indirect.scatter.add.f32 [tilespmem:s4], [sflag:$0x4], $0x80, s16, s9, $0xb8;
	[tilespmem:$0x1FE80] =	vst v63  }
0x16d: {  	_ =	swait.ge [sflag:s24], $0x4000  }
0x16e: {  	[sflag:s24] =	ssyncset.done $0x0  }
0x16f: {  	s19 =	simm.s32 $0x4000;
	s21 =	simm.s32 $0xC380;
	[sflag:s24] =	ssyncadd.s32 $0xFFFFC000  }
0x170: {  	[spmem:s3] =	stream.indirect.scatter.add.f32 [tilespmem:s19], [sflag:$0x5], $0x80, s21, s9, $0xb8;
	[tilespmem:$0x1FE80] =	vst v63  }
0x171: {  	_ =	swait.ge [sflag:s25], $0x4000  }
0x172: {  	[sflag:s25] =	ssyncset.done $0x0  }
0x173: {  	s14 =	simm.s32 $0xC400;
	[sflag:s25] =	ssyncadd.s32 $0xFFFFC000  }
0x174: {  	[spmem:s3] =	stream.indirect.scatter.add.f32 [tilespmem:s22], [sflag:$0x6], $0x80, s14, s9, $0xb8;
	[tilespmem:$0x1FE80] =	vst v63  }
0x175: {  	_ =	swait.ge [sflag:s28], $0x4000  }
0x176: {  	[sflag:s28] =	ssyncset.done $0x0  }
0x177: {  	[sflag:s28] =	ssyncadd.s32 $0xFFFFC000  }
0x178: {  	_ =	swait.ge [sflag:s29], $0x80  }
0x179: {  	[sflag:s29] =	ssyncset.done $0x0  }
0x17a: {  	[sflag:s29] =	ssyncadd.s32 $0xFFFFFF80  }
0x17b: {  	_ =	swait.ge [sflag:s30], $0x80  }
0x17c: {  	[sflag:s30] =	ssyncset.done $0x0  }
0x17d: {  	s10 =	rddreg [dreg:$0xa];
	[sflag:s30] =	ssyncadd.s32 $0xFFFFFF80  }
0x17e: {  	[tilespmem:s4], [sflag:$0x1] =	stream.indirect.gather [hbm4b:s0+s9], $0x80, s17, s9, $0xb8;
	[tilespmem:$0x1FE80] =	vst v63  }
0x17f: {  	s22 =	rddreg [dreg:$0x9];
	s8 =	sadd.s32 s7, s10  }
0x180: {  	[tilespmem:s15], [sflag:$0x7] =	stream.linear.gather [hbm4b:s8+s4], $0x80, $0x38;
	[tilespmem:$0x1FE80] =	vst v63  }
0x181: {  	s22 =	sadd.s32 s7, s22  }
0x182: {  	[tilespmem:s16], [sflag:$0xA] =	stream.linear.gather [hbm4b:s22+s4], $0x80, $0x38;
	[tilespmem:$0x1FE80] =	vst v63  }
0x183: {  	_ =	swait.ge [sflag:s31], $0x4000  }
0x184: {  	[sflag:s31] =	ssyncset.done $0x0  }
0x185: {  	[sflag:s31] =	ssyncadd.s32 $0xFFFFC000  }
0x186: {  	_ =	swait.ge [sflag:s1], $0x80  }
0x187: {  	[sflag:s1] =	ssyncset.done $0x0  }
0x188: {  	[sflag:s1] =	ssyncadd.s32 $0xFFFFFF80  }
0x189: {  	_ =	swait.ge [sflag:s2], $0x80  }
0x18a: {  	[sflag:s2] =	ssyncset.done $0x0  }
0x18b: {  	s10 =	rddreg [dreg:$0x8];
	[sflag:s2] =	ssyncadd.s32 $0xFFFFFF80  }
0x18c: {  	[tilespmem:s19], [sflag:$0x2] =	stream.indirect.gather [hbm4b:s0+s9], $0x80, s13, s9, $0xb8;
	[tilespmem:$0x1FE80] =	vst v63  }
0x18d: {  	s15 =	rddreg [dreg:$0x7];
	s8 =	sadd.s32 s7, s10  }
0x18e: {  	[tilespmem:s20], [sflag:$0x8] =	stream.linear.gather [hbm4b:s8+s4], $0x80, $0x38;
	[tilespmem:$0x1FE80] =	vst v63  }
0x18f: {  	s16 =	sadd.s32 s7, s15  }
0x190: {  	[tilespmem:s21], [sflag:$0xB] =	stream.linear.gather [hbm4b:s16+s4], $0x80, $0x38;
	[tilespmem:$0x1FE80] =	vst v63  }
0x191: {  	_ =	swait.ge [sflag:s5], $0x4000  }
0x192: {  	[sflag:s5] =	ssyncset.done $0x0  }
0x193: {  	[sflag:s5] =	ssyncadd.s32 $0xFFFFC000  }
0x194: {  	_ =	swait.ge [sflag:s26], $0x80  }
0x195: {  	[sflag:s26] =	ssyncset.done $0x0  }
0x196: {  	[sflag:s26] =	ssyncadd.s32 $0xFFFFFF80  }
0x197: {  	_ =	swait.ge [sflag:s18], $0x80  }
0x198: {  	[sflag:s18] =	ssyncset.done $0x0  }
0x199: {  	s19 =	simm.s32 $0x8000;
	s17 =	rddreg [dreg:$0x6];
	[sflag:s18] =	ssyncadd.s32 $0xFFFFFF80  }
0x19a: {  	[tilespmem:s19], [sflag:$0x3] =	stream.indirect.gather [hbm4b:s0+s9], $0x80, s11, s9, $0xb8;
	[tilespmem:$0x1FE80] =	vst v63  }
0x19b: {  	s20 =	rddreg [dreg:$0x5];
	s8 =	sadd.s32 s7, s17  }
0x19c: {  	[tilespmem:s12], [sflag:$0x9] =	stream.linear.gather [hbm4b:s8+s4], $0x80, $0x38;
	[tilespmem:$0x1FE80] =	vst v63  }
0x19d: {  	s7 =	sadd.s32 s7, s20  }
0x19e: {  	[tilespmem:s14], [sflag:$0xC] =	stream.linear.gather [hbm4b:s7+s4], $0x80, $0x38;
	[tilespmem:$0x1FE80] =	vst v63  }
0x19f: {  	_ =	swait.ge [sflag:s23], $0x4000  }
0x1a0: {  	[sflag:s23] =	ssyncset.done $0x0  }
0x1a1: {  	s21 =	simm.s32 $0xC480;
	[sflag:s23] =	ssyncadd.s32 $0xFFFFC000  }
0x1a2: {  	[spmem:s3] =	stream.indirect.scatter.add.f32 [tilespmem:s4], [sflag:$0x4], $0x80, s21, s9, $0xb8;
	[tilespmem:$0x1FE80] =	vst v63  }
0x1a3: {  	_ =	swait.ge [sflag:s24], $0x4000  }
0x1a4: {  	p2 =	sne.s32 s6, $0x420;
	s22 =	simm.s32 $0xC500;
	[sflag:s24] =	ssyncset.done $0x0  }
.Ltmp1:
0x1a5: {  	s12 =	simm.s32 $0x4000;
	[sflag:s24] =	ssyncadd.s32 $0xFFFFC000;
	(pc) =	sbr.rel @p2 .LBB2_4-.Ltmp1, $4  }
0x1a6: {  	[spmem:s3] =	stream.indirect.scatter.add.f32 [tilespmem:s12], [sflag:$0x5], $0x80, s22, s9, $0xb8;
	[tilespmem:$0x1FE80] =	vst v63  }
0x1a7: {  	_ =	swait.ge [sflag:s25], $0x4000  }
0x1a8: {  	[sflag:s25] =	ssyncset.done $0x0  }
0x1a9: {  	s6 =	sadd.s32 $0x60, s6;
	[sflag:s25] =	ssyncadd.s32 $0xFFFFC000  }
0x1aa: {  	s6 =	simm.s32 $0xC580  }
0x1ab: {  	[spmem:s3] =	stream.indirect.scatter.add.f32 [tilespmem:s19], [sflag:$0x6], $0x80, s6, s9, $0xb8;
	[tilespmem:$0x1FE80] =	vst v63  }
0x1ac: {  	_ =	swait.ge [sflag:s28], $0x4000  }
0x1ad: {  	[sflag:s28] =	ssyncset.done $0x0  }
0x1ae: {  	[sflag:s28] =	ssyncadd.s32 $0xFFFFC000  }
0x1af: {  	_ =	swait.ge [sflag:s29], $0x80  }
0x1b0: {  	[sflag:s29] =	ssyncset.done $0x0  }
0x1b1: {  	[sflag:s29] =	ssyncadd.s32 $0xFFFFFF80  }
0x1b2: {  	_ =	swait.ge [sflag:s30], $0x80  }
0x1b3: {  	[sflag:s30] =	ssyncset.done $0x0  }
0x1b4: {  	[sflag:s30] =	ssyncadd.s32 $0xFFFFFF80  }
0x1b5: {  	_ =	swait.ge [sflag:s31], $0x4000  }
0x1b6: {  	[sflag:s31] =	ssyncset.done $0x0  }
0x1b7: {  	[sflag:s31] =	ssyncadd.s32 $0xFFFFC000  }
0x1b8: {  	_ =	swait.ge [sflag:s1], $0x80  }
0x1b9: {  	[sflag:s1] =	ssyncset.done $0x0  }
0x1ba: {  	[sflag:s1] =	ssyncadd.s32 $0xFFFFFF80  }
0x1bb: {  	_ =	swait.ge [sflag:s2], $0x80  }
0x1bc: {  	[sflag:s2] =	ssyncset.done $0x0  }
0x1bd: {  	[sflag:s2] =	ssyncadd.s32 $0xFFFFFF80  }
0x1be: {  	_ =	swait.ge [sflag:s5], $0x4000  }
0x1bf: {  	[sflag:s5] =	ssyncset.done $0x0  }
0x1c0: {  	[sflag:s5] =	ssyncadd.s32 $0xFFFFC000  }
0x1c1: {  	_ =	swait.ge [sflag:s26], $0x80  }
0x1c2: {  	[sflag:s26] =	ssyncset.done $0x0  }
0x1c3: {  	[sflag:s26] =	ssyncadd.s32 $0xFFFFFF80  }
0x1c4: {  	_ =	swait.ge [sflag:s18], $0x80  }
0x1c5: {  	s7 =	sld [smem:$0x7F4]  }
0x1c6: {  	s8 =	simm.s32 @!p0 $0xD;
	[sflag:s18] =	ssyncset.done $0x0  }
0x1c7: {  	s6 =	simm.s32 @!p0 $0x0;
	s1 =	simm.s32 @!p0 $0xC000;
	[sflag:s18] =	ssyncadd.s32 $0xFFFFFF80  }
0x1c8: {  	[tilespmem:s1], [sflag:$0xD] =	stream.linear.gather @!p0 [hbm4b:s7+s6], $0x80, $0x38;
	[tilespmem:$0x1FE80] =	vst v63  }
0x1c9: {  	_ =	swait.ge @!p0 [sflag:s8], $0x80  }
0x1ca: {  	s7 =	sld [smem:$0x7F3]  }
0x1cb: {  	[sflag:s8] =	ssyncset.done @!p0 $0x0  }
0x1cc: {  	s10 =	simm.s32 @!p0 $0xC300;
	[sflag:s8] =	ssyncadd.s32 @!p0 $0xFFFFFF80  }
0x1cd: {  	[tilespmem:s10], [sflag:$0xD] =	stream.linear.gather @!p0 [hbm4b:s7+s6], $0x80, $0x38;
	[tilespmem:$0x1FE80] =	vst v63  }
0x1ce: {  	_ =	swait.ge @!p0 [sflag:s8], $0x80  }
0x1cf: {  	[sflag:s8] =	ssyncset.done @!p0 $0x0  }
0x1d0: {  	s7 =	simm.s32 @!p0 $0x1;
	[sflag:s8] =	ssyncadd.s32 @!p0 $0xFFFFFF80;
	s8 =	simm.s32 @!p0 $0x80  }
0x1d1: {  	[tilespmem:s6], [sflag:$0x1] =	stream.indirect.gather @!p0 [hbm4b:s0+s8], $0x80, s1, s8, $0xb8;
	[tilespmem:$0x1FE80] =	vst v63  }
0x1d2: {  	_ =	swait.ge @!p0 [sflag:s7], $0x4000  }
0x1d3: {  	[sflag:s7] =	ssyncset.done @!p0 $0x0  }
0x1d4: {  	[sflag:s7] =	ssyncadd.s32 @!p0 $0xFFFFC000  }
0x1d5: {  	[spmem:s3] =	stream.indirect.scatter.add.f32 @!p0 [tilespmem:s6], [sflag:$0x4], $0x80, s10, s8, $0xb8;
	[tilespmem:$0x1FE80] =	vst v63  }
0x1d6: {  	s6 =	simm.s32 @!p0 $0x4  }
0x1d7: {  	_ =	swait.ge @!p0 [sflag:s6], $0x4000  }
0x1d8: {  	[sflag:s6] =	ssyncset.done @!p0 $0x0  }
0x1d9: {  	[sflag:s6] =	ssyncadd.s32 @!p0 $0xFFFFC000  }
0x1da: {  	[bflag:$0x0] =	sbarrier.arrive $0xFFFF  }
0x1db: {  	s10 =	sld [smem:$0x7FD]  }
0x1dc: {  	s22 =	stileid.u32;
	s24 =	sld [smem:$0x7F5]  }
0x1dd: {  	s6 =	sshll.u32 s22, $0x6  }
0x1de: {  	s25 =	simm.s32 $0xD;
	s6 =	sor.u32 $0x1C0D, s6;
	s23 =	sshrl.u32 s10, $0x3  }
0x1df: {  	[hbm:s24], [sflag:s6] =	dma.local [spmem:s23], $0x2700  }
0x1e0: {  	_ =	swait.ge [sflag:s25], $0x2700  }
0x1e1: {  	s7 =	sld [smem:$0x7FC]  }
0x1e2: {  	s8 =	sld [smem:$0x7F6]  }
0x1e3: {  	[sflag:s25] =	ssyncset.done $0x0  }
0x1e4: {  	[sflag:s25] =	ssyncadd.s32 $0xFFFFD900;
	s7 =	sshrl.u32 @!p1 s7, $0x3  }
0x1e5: {  	[hbm:s8], [sflag:s6] =	dma.local @!p1 [spmem:s7], $0x100  }
0x1e6: {  	s6 =	simm.s32 @!p1 $0xD  }
0x1e7: {  	_ =	swait.ge @!p1 [sflag:s6], $0x100  }
0x1e8: {  	s26 =	sld [smem:$0x7EF]  }
0x1e9: {  	s31 =	sld [smem:$0x7F7];
	_ =	sdelay $0x1  }
0x1ea: {  	s8 =	sadd.s32 $0x1, s26  }
0x1eb: {  	p2 =	sne.s32 s8, s31  }
.Ltmp2:
0x1ec: {  	s14 =	simm.s32 $0x1;
	s28 =	simm.s32 $0xA;
	(pc) =	sbr.rel @p2 .LBB2_1-.Ltmp2, $4  }
0x1ed: {  	s29 =	simm.s32 $0x5;
	s30 =	simm.s32 $0xC;
	s2 =	simm.s32 $0xB  }
0x1ee: {  	s5 =	simm.s32 $0x6;
	s1 =	simm.s32 $0x8;
	s22 =	simm.s32 $0x2  }
0x1ef: {  	s23 =	simm.s32 $0x3;
	s24 =	simm.s32 $0x4;
	[sflag:s6] =	ssyncset.done @!p1 $0x0  }
0x1f0: {  	s25 =	simm.s32 $0x7;
	[sflag:s6] =	ssyncadd.s32 @!p1 $0xFFFFFF00;
	s26 =	simm.s32 $0x9  }
0x1f1: {  	_ =	sfence.sel $0x180000  }
0x1f2: {  	[bflag:$0x0] =	sbarrier.arrive $0xFFFF  }
0x1f3: {  	_ =	strace $0x90000047  }
0x1f4: {  	s0 =	stileid.u32;
	[bflag:$0x2] =	sbarrier.arrive $0xFFFF  }
0x1f5: {  	p0 =	sne.s32 s0, $0x0;
	s0 =	rddreg [dreg:$0x4]  }
0x1f6: {  	s0 =	sadd.s32 @!p0 $0x100000, s0  }
0x1f7: {  	[sflag:s0] =	ssyncadd.tile.s32 @!p0 $0x1;
	_ =	shalt  }
.Lfunc_end2:
_tile_overlayer_lowered:
.L_overlay_start_2:
0x1f8: {  	(tag) =	ssettag $0x2  }
0x1f9: {  	s0 =	rddreg [dreg:$0x0];
	s2 =	stileid.u32  }
0x1fa: {  	s1 =	rddreg [dreg:$0x1];
	p0 =	sne.s32 s2, $0x0  }
0x1fb: {  	s3 =	rddreg [dreg:$0x2];
	[bflag:$0x3] =	sbarrier.arrive $0xFFFF;
	s2 =	simm.s32 @!p0 $0x1C0D  }
0x1fc: {  	[timem:s3], [sflag:s2] =	dma.local @!p0 [hbm:s0], s1  }
0x1fd: {  	s0 =	simm.s32 @!p0 $0xD  }
0x1fe: {  	_ =	swait.ge @!p0 [sflag:s0], s1  }
0x1ff: {  	s1 =	ssub.s32 @!p0 $0x0, s1;
	[sflag:s0] =	ssyncset.done @!p0 $0x0  }
0x200: {  	[sflag:s0] =	ssyncadd.s32 @!p0 s1  }
0x201: {  	[bflag:$0x3] =	sbarrier.arrive $0xFFFF  }
0x202: {  	_ =	shalt  }

</sc_bundles>
